<compile_context>
chip_gen: v7x
topology: tpu7x:2x2x1
jax: 0.10.2.dev20260603
libtpu: 0.0.44.dev20260713+nightly
codegen_flags: <defaults>
</compile_context>

<pallas_src>
import functools

import jax
import jax.numpy as jnp
import numpy as np
from jax import lax
from jax.experimental import pallas as pl
from jax.experimental.pallas import tpu as pltpu, tpu_sc as plsc

K = 4
P = 128
HO = 63
L = HO * HO
LP = 4096
TL = 1024
NEG = -3.0e38

NW = 32
NCH = 16

_WALL = np.zeros((16, 16), np.float32)
for _p, _j, _grp in [(0, 0, 0), (1, 1, 0), (3, 2, 0), (4, 3, 0),
                     (2, 0, 1), (5, 2, 1),
                     (6, 0, 2), (7, 1, 2),
                     (8, 0, 3)]:
    _WALL[_p, 4 * _grp + _j] = 1.0


def _maxpool3(x):
    return jax.lax.reduce_window(x, -jnp.inf, jax.lax.max,
                                 (1, 1, 3, 3), (1, 1, 1, 1),
                                 [(0, 0), (0, 0), (1, 1), (1, 1)])


def _unfold(img):
    B, _, H, W = img.shape
    Ho = (H - 3) // 2 + 1
    Wo = (W - 3) // 2 + 1
    cols = []
    for di in range(3):
        for dj in range(3):
            cols.append(img[:, :, di:di + 2 * (Ho - 1) + 1:2,
                            dj:dj + 2 * (Wo - 1) + 1:2])
    patch = jnp.concatenate(cols, axis=1)
    return patch.reshape(B, 9, Ho * Wo)


def _ncc_topk_body(inP_ref, refn_ref, idx_ref):
    av = inP_ref[0]
    bm = refn_ref[0]
    base = pl.program_id(0) * LP

    ncc = jax.lax.dot_general(
        av, bm, (((0,), (0,)), ((), ())),
        preferred_element_type=jnp.float32,
        precision=jax.lax.Precision.DEFAULT)

    colf = jax.lax.broadcasted_iota(jnp.int32, (1, LP), 1).astype(jnp.float32)

    for i in range(K):
        m = jnp.max(ncc, axis=1, keepdims=True)
        idxf = jnp.min(jnp.where(ncc == m, colf, float(LP)),
                       axis=1, keepdims=True)
        idx_ref[0, i] = idxf.astype(jnp.int32) + base
        if i + 1 < K:
            ncc = jnp.where(colf == idxf, NEG, ncc)


def _fold_body(g_ref, w_ref, out_ref):
    sel = jax.lax.dot_general(
        g_ref[0], w_ref[...], (((1,), (0,)), ((), ())),
        preferred_element_type=jnp.float32,
        precision=jax.lax.Precision.HIGHEST)
    planes = (
        sel[:, 0:4]
        + jnp.concatenate([jnp.zeros((1, 4), jnp.float32),
                           sel[:4095, 4:8]], axis=0)
        + jnp.concatenate([jnp.zeros((64, 4), jnp.float32),
                           sel[:4032, 8:12]], axis=0)
        + jnp.concatenate([jnp.zeros((65, 4), jnp.float32),
                           sel[:4031, 12:16]], axis=0)
    )
    out_ref[0] = planes


def _sc_gather_body(table_hbm, idx_hbm, out_hbm, idx_v, rows_v, sem):
    wid = lax.axis_index("s") * 2 + lax.axis_index("c")
    pltpu.sync_copy(idx_hbm.at[wid], idx_v)
    nbuf = 4
    for g in range(NCH // nbuf):
        copies = [
            pltpu.async_copy(table_hbm.at[idx_v.at[g * nbuf + j]],
                             rows_v.at[j], sem)
            for j in range(nbuf)
        ]
        for c in copies:
            c.wait()
        pltpu.sync_copy(rows_v, out_hbm.at[wid, pl.ds(g * nbuf, nbuf)])


@jax.jit
def kernel(x, ref):
    B = x.shape[0]
    x_gray = (jnp.max(_maxpool3(x), axis=1, keepdims=True)
              - jnp.min(x, axis=1, keepdims=True))
    ref_gray = jnp.mean(ref, axis=1, keepdims=True)
    input_patch = _unfold(x_gray)
    ref_patch = _unfold(ref_gray)

    input_mu = jnp.mean(input_patch, axis=2, keepdims=True)
    ref_mu = jnp.mean(ref_patch, axis=2, keepdims=True)
    input_len = jnp.linalg.norm(input_patch, axis=1, keepdims=True)
    ref_len = jnp.linalg.norm(ref_patch, axis=1, keepdims=True)
    input_norm = (input_patch - input_mu) / input_len
    ref_norm = (ref_patch - ref_mu) / ref_len

    pad9 = [(0, 0), (0, 16 - 9), (0, LP - L)]
    inP = jnp.pad(input_norm, pad9).at[:, 9, :].set(1.0)
    refn = jnp.pad(ref_norm, pad9).at[:, 9, L:].set(NEG)
    refpT = jnp.pad(ref_patch, pad9).transpose(0, 2, 1)

    nblk = LP // TL
    idx = pl.pallas_call(
        _ncc_topk_body,
        grid=(B, nblk),
        in_specs=[
            pl.BlockSpec((1, 16, TL), lambda b, r: (b, 0, r)),
            pl.BlockSpec((1, 16, LP), lambda b, r: (b, 0, 0)),
        ],
        out_specs=pl.BlockSpec((1, K, TL, 1), lambda b, r: (b, 0, r, 0)),
        out_shape=jax.ShapeDtypeStruct((B, K, LP, 1), jnp.int32),
    )(inP, refn)

    idxs = idx[:, :, :L, 0].reshape(B, K, HO, HO)
    idx_f = jnp.pad(idxs, [(0, 0), (0, 0), (0, 1), (0, 1)])
    zrow = (jnp.arange(B, dtype=jnp.int32) * LP + L).reshape(B, 1, 1, 1)
    valid = jnp.pad(jnp.ones((HO, HO), jnp.bool_), [(0, 1), (0, 1)])
    idx_f = jnp.where(valid, idx_f, zrow)

    table = refpT.reshape(B * LP, 16)
    idx_w = idx_f.reshape(NW, NCH, 128)
    mesh = plsc.VectorSubcoreMesh(core_axis_name="c", subcore_axis_name="s",
                                  num_cores=2, num_subcores=16)
    sc_gather = functools.partial(
        pl.kernel,
        out_type=jax.ShapeDtypeStruct((NW, NCH, 128, 16), jnp.float32),
        compiler_params=pltpu.CompilerParams(use_tc_tiling_on_sc=False),
        mesh=mesh,
        scratch_types=[
            pltpu.VMEM((NCH, 128), jnp.int32),
            pltpu.VMEM((4, 128, 16), jnp.float32),
            pltpu.SemaphoreType.DMA,
        ],
    )(_sc_gather_body)
    gathered = sc_gather(table, idx_w)

    planes = pl.pallas_call(
        _fold_body,
        grid=(B * K,),
        in_specs=[
            pl.BlockSpec((1, 64 * 64, 16), lambda i: (i, 0, 0)),
            pl.BlockSpec((16, 16), lambda i: (0, 0)),
        ],
        out_specs=pl.BlockSpec((1, 64 * 64, 4), lambda i: (i, 0, 0)),
        out_shape=jax.ShapeDtypeStruct((B * K, 64 * 64, 4), jnp.float32),
    )(gathered.reshape(B * K, 64 * 64, 16), jnp.asarray(_WALL))

    folds = planes.reshape(B, K, 64, 64, 2, 2).transpose(0, 1, 2, 4, 3, 5)
    folds = folds.reshape(B, K, P, P)
    return jnp.concatenate([x, folds], axis=1)

# --- scband reference (transcript-rebuilt; emitter-appended) ---
"""Pipeline reference for scband-ncc-test-60670708023332 (READ-ONLY COPY).

The authoritative reference and input builder live on the scoring server;
editing this copy changes nothing except your own understanding.
"""

import jax, jax.numpy as jnp
import numpy as np

K = 4
P = 128


def _maxpool3(x):
    # 3x3 max pool, stride 1, padding 1 (NCHW), -inf padding like torch
    return jax.lax.reduce_window(x, -jnp.inf, jax.lax.max,
                                 (1, 1, 3, 3), (1, 1, 1, 1),
                                 [(0, 0), (0, 0), (1, 1), (1, 1)])


def _unfold(img):
    # img: [B,1,H,W] -> [B,9,L], matching nn.Unfold(kernel=3, stride=2)
    B, _, H, W = img.shape
    Ho = (H - 3) // 2 + 1
    Wo = (W - 3) // 2 + 1
    cols = []
    for di in range(3):
        for dj in range(3):
            cols.append(img[:, :, di:di + 2 * (Ho - 1) + 1:2, dj:dj + 2 * (Wo - 1) + 1:2])
    patch = jnp.concatenate(cols, axis=1)  # [B,9,Ho,Wo]
    return patch.reshape(B, 9, Ho * Wo)


def _fold(vals, p):
    # vals: [B,9,L] -> [B,1,p,p], matching nn.Fold(output=(p,p), kernel=3, stride=2)
    B = vals.shape[0]
    Ho = (p - 3) // 2 + 1
    v = vals.reshape(B, 9, Ho, Ho)
    out = jnp.zeros((B, 1, p, p), vals.dtype)
    for di in range(3):
        for dj in range(3):
            out = out.at[:, 0, di:di + 2 * (Ho - 1) + 1:2, dj:dj + 2 * (Ho - 1) + 1:2].add(v[:, di * 3 + dj])
    return out


def setup_inputs(seed: int = 0):
    key = jax.random.key(seed)
    k1, k2 = jax.random.split(key)
    x = jax.random.normal(k1, (4, 3, 128, 128), dtype=jnp.float32)
    ref = jax.random.normal(k2, (4, 3, 128, 128), dtype=jnp.float32)
    return {"x": x, "ref": ref}


def reference(x, ref):
    x_gray = jnp.max(_maxpool3(x), axis=1, keepdims=True) - jnp.min(x, axis=1, keepdims=True)
    ref_gray = jnp.mean(ref, axis=1, keepdims=True)
    input_patch = _unfold(x_gray)   # [B,9,L]
    ref_patch = _unfold(ref_gray)   # [B,9,L]
    input_mu = jnp.mean(input_patch, axis=2, keepdims=True)
    ref_mu = jnp.mean(ref_patch, axis=2, keepdims=True)
    input_len = jnp.linalg.norm(input_patch, axis=1, keepdims=True)
    ref_len = jnp.linalg.norm(ref_patch, axis=1, keepdims=True)
    input_norm = (input_patch - input_mu) / input_len
    ref_norm = (ref_patch - ref_mu) / ref_len
    # bmm(input_norm^T [B,L,9], ref_norm [B,9,L]) -> [B,L,L]
    ncc = jnp.einsum('bpl,bpm->blm', input_norm, ref_norm)
    _, idx = jax.lax.top_k(ncc, K)  # idx: [B,L,K]
    out = x
    for i in range(K):
        gathered = jnp.take_along_axis(ref_patch, idx[:, None, :, i], axis=2)  # [B,9,L]
        out = jnp.concatenate([out, _fold(gathered, P)], axis=1)
    return out

if __name__ == "__main__":
    import jax
    _d = setup_inputs()
    print(jax.jit(kernel)(*tuple(_d.values())))

</pallas_src>

<mosaic_0001>
#map = affine_map<(d0, d1) -> (0, 0)>
#map1 = affine_map<(d0, d1) -> (0, 0, 0)>
#map2 = affine_map<(d0, d1) -> (0, 0, 0, 0)>
module attributes {stable_mosaic.version = 14 : i64} {
  func.func @_sc_gather_body(%arg0: i32, %arg1: i32, %arg2: memref<16384x16xf32, #tpu.memory_space<hbm>>, %arg3: memref<32x16x128xi32, #tpu.memory_space<hbm>>, %arg4: memref<32x16x128x16xf32, #tpu.memory_space<hbm>>, %arg5: memref<16x128xi32, #tpu.memory_space<vmem>>, %arg6: memref<4x128x16xf32, #tpu.memory_space<vmem>>, %arg7: memref<!tpu.dma_semaphore, #tpu.memory_space<semaphore_mem>>) attributes {dimension_semantics = [#tpu.dimension_semantics<core_parallel>, #tpu.dimension_semantics<subcore_parallel>], iteration_bounds = array<i64: 2, 16>, scalar_prefetch = 0 : i64, scratch_operands = 3 : i64, tpu.core_type = #tpu.core_type<sc_vector_subcore>, window_params = [{transform_indices = #map}, {transform_indices = #map1}, {transform_indices = #map2}]} {
    %mul3A = arith.constant 2 : i32
    %mul3A_0 = arith.muli %arg1, %mul3A : i32
    %add3A = arith.addi %mul3A_0, %arg0 : i32
    "tpu.region"() ({
      %run_scoped3A = tpu.sem_alloc : memref<!tpu.dma_semaphore, #tpu.memory_space<semaphore_mem>>
      %dma_start3A_383 = arith.constant 0 : i32
      %dma_start3A_384 = arith.constant 0 : i32
      %dma_start3A_385 = tpu.memref_slice %arg3[%add3A, %dma_start3A_383, %dma_start3A_384] : memref<32x16x128xi32, #tpu.memory_space<hbm>> -> memref<1x16x128xi32, #tpu.memory_space<hbm>>
      %dma_start3A_386 = tpu.memref_squeeze %dma_start3A_385 : memref<1x16x128xi32, #tpu.memory_space<hbm>> -> memref<16x128xi32, #tpu.memory_space<hbm>>
      %dma_start3A_387 = arith.constant 0 : i32
      %dma_start3A_388 = arith.constant 0 : i32
      %dma_start3A_389 = tpu.memref_slice %arg3[%add3A, %dma_start3A_387, %dma_start3A_388] : memref<32x16x128xi32, #tpu.memory_space<hbm>> -> memref<1x16x128xi32, #tpu.memory_space<hbm>>
      %dma_start3A_390 = tpu.memref_squeeze %dma_start3A_389 : memref<1x16x128xi32, #tpu.memory_space<hbm>> -> memref<16x128xi32, #tpu.memory_space<hbm>>
      tpu.enqueue_dma source(%dma_start3A_390 : memref<16x128xi32, #tpu.memory_space<hbm>>) target(%arg5 : memref<16x128xi32, #tpu.memory_space<vmem>>) target_semaphore(%run_scoped3A : memref<!tpu.dma_semaphore, #tpu.memory_space<semaphore_mem>>)
      %dma_wait3A_391 = arith.constant 0 : i32
      %dma_wait3A_392 = arith.constant 0 : i32
      %dma_wait3A_393 = tpu.memref_slice %arg3[%add3A, %dma_wait3A_391, %dma_wait3A_392] : memref<32x16x128xi32, #tpu.memory_space<hbm>> -> memref<1x16x128xi32, #tpu.memory_space<hbm>>
      %dma_wait3A_394 = tpu.memref_squeeze %dma_wait3A_393 : memref<1x16x128xi32, #tpu.memory_space<hbm>> -> memref<16x128xi32, #tpu.memory_space<hbm>>
      %dma_wait3A_395 = arith.constant 0 : i32
      %dma_wait3A_396 = arith.constant 0 : i32
      %dma_wait3A_397 = tpu.memref_slice %arg3[%add3A, %dma_wait3A_395, %dma_wait3A_396] : memref<32x16x128xi32, #tpu.memory_space<hbm>> -> memref<1x16x128xi32, #tpu.memory_space<hbm>>
      %dma_wait3A_398 = tpu.memref_squeeze %dma_wait3A_397 : memref<1x16x128xi32, #tpu.memory_space<hbm>> -> memref<16x128xi32, #tpu.memory_space<hbm>>
      tpu.wait_dma2 semaphore(%run_scoped3A : memref<!tpu.dma_semaphore, #tpu.memory_space<semaphore_mem>>) src(%dma_wait3A_398 : memref<16x128xi32, #tpu.memory_space<hbm>>) dst(%arg5 : memref<16x128xi32, #tpu.memory_space<vmem>>)
      tpu.yield
    }) : () -> ()
    %dma_start3A = arith.constant 0 : i32
    %dma_start3A_1 = arith.constant 0 : i32
    %dma_start3A_2 = arith.constant 0 : i32
    %dma_start3A_3 = arith.constant 0 : i32
    %dma_start3A_4 = tpu.memref_slice %arg6[%dma_start3A_1, %dma_start3A_2, %dma_start3A_3] : memref<4x128x16xf32, #tpu.memory_space<vmem>> -> memref<1x128x16xf32, #tpu.memory_space<vmem>>
    %dma_start3A_5 = tpu.memref_squeeze %dma_start3A_4 : memref<1x128x16xf32, #tpu.memory_space<vmem>> -> memref<128x16xf32, #tpu.memory_space<vmem>>
    %dma_start3A_6 = arith.constant 0 : i32
    %dma_start3A_7 = tpu.memref_slice %arg5[%dma_start3A, %dma_start3A_6] : memref<16x128xi32, #tpu.memory_space<vmem>> -> memref<1x128xi32, #tpu.memory_space<vmem>>
    %dma_start3A_8 = tpu.memref_squeeze %dma_start3A_7 : memref<1x128xi32, #tpu.memory_space<vmem>> -> memref<128xi32, #tpu.memory_space<vmem>>
    %dma_start3A_9 = arith.constant 0 : i32
    %dma_start3A_10 = arith.constant 0 : i32
    %dma_start3A_11 = tpu.memref_slice %arg2[%dma_start3A_9, %dma_start3A_10] : memref<16384x16xf32, #tpu.memory_space<hbm>> -> memref<16384x16xf32, #tpu.memory_space<hbm>>
    tpu.enqueue_indirect_dma source(%dma_start3A_11 : memref<16384x16xf32, #tpu.memory_space<hbm>>) target(%dma_start3A_5 : memref<128x16xf32, #tpu.memory_space<vmem>>) offsets(%dma_start3A_8 : memref<128xi32, #tpu.memory_space<vmem>>) semaphore(%arg7 : memref<!tpu.dma_semaphore, #tpu.memory_space<semaphore_mem>>)
    %dma_start3A_12 = arith.constant 1 : i32
    %dma_start3A_13 = arith.constant 1 : i32
    %dma_start3A_14 = arith.constant 0 : i32
    %dma_start3A_15 = arith.constant 0 : i32
    %dma_start3A_16 = tpu.memref_slice %arg6[%dma_start3A_13, %dma_start3A_14, %dma_start3A_15] : memref<4x128x16xf32, #tpu.memory_space<vmem>> -> memref<1x128x16xf32, #tpu.memory_space<vmem>>
    %dma_start3A_17 = tpu.memref_squeeze %dma_start3A_16 : memref<1x128x16xf32, #tpu.memory_space<vmem>> -> memref<128x16xf32, #tpu.memory_space<vmem>>
    %dma_start3A_18 = arith.constant 0 : i32
    %dma_start3A_19 = tpu.memref_slice %arg5[%dma_start3A_12, %dma_start3A_18] : memref<16x128xi32, #tpu.memory_space<vmem>> -> memref<1x128xi32, #tpu.memory_space<vmem>>
    %dma_start3A_20 = tpu.memref_squeeze %dma_start3A_19 : memref<1x128xi32, #tpu.memory_space<vmem>> -> memref<128xi32, #tpu.memory_space<vmem>>
    %dma_start3A_21 = arith.constant 0 : i32
    %dma_start3A_22 = arith.constant 0 : i32
    %dma_start3A_23 = tpu.memref_slice %arg2[%dma_start3A_21, %dma_start3A_22] : memref<16384x16xf32, #tpu.memory_space<hbm>> -> memref<16384x16xf32, #tpu.memory_space<hbm>>
    tpu.enqueue_indirect_dma source(%dma_start3A_23 : memref<16384x16xf32, #tpu.memory_space<hbm>>) target(%dma_start3A_17 : memref<128x16xf32, #tpu.memory_space<vmem>>) offsets(%dma_start3A_20 : memref<128xi32, #tpu.memory_space<vmem>>) semaphore(%arg7 : memref<!tpu.dma_semaphore, #tpu.memory_space<semaphore_mem>>)
    %dma_start3A_24 = arith.constant 2 : i32
    %dma_start3A_25 = arith.constant 2 : i32
    %dma_start3A_26 = arith.constant 0 : i32
    %dma_start3A_27 = arith.constant 0 : i32
    %dma_start3A_28 = tpu.memref_slice %arg6[%dma_start3A_25, %dma_start3A_26, %dma_start3A_27] : memref<4x128x16xf32, #tpu.memory_space<vmem>> -> memref<1x128x16xf32, #tpu.memory_space<vmem>>
    %dma_start3A_29 = tpu.memref_squeeze %dma_start3A_28 : memref<1x128x16xf32, #tpu.memory_space<vmem>> -> memref<128x16xf32, #tpu.memory_space<vmem>>
    %dma_start3A_30 = arith.constant 0 : i32
    %dma_start3A_31 = tpu.memref_slice %arg5[%dma_start3A_24, %dma_start3A_30] : memref<16x128xi32, #tpu.memory_space<vmem>> -> memref<1x128xi32, #tpu.memory_space<vmem>>
    %dma_start3A_32 = tpu.memref_squeeze %dma_start3A_31 : memref<1x128xi32, #tpu.memory_space<vmem>> -> memref<128xi32, #tpu.memory_space<vmem>>
    %dma_start3A_33 = arith.constant 0 : i32
    %dma_start3A_34 = arith.constant 0 : i32
    %dma_start3A_35 = tpu.memref_slice %arg2[%dma_start3A_33, %dma_start3A_34] : memref<16384x16xf32, #tpu.memory_space<hbm>> -> memref<16384x16xf32, #tpu.memory_space<hbm>>
    tpu.enqueue_indirect_dma source(%dma_start3A_35 : memref<16384x16xf32, #tpu.memory_space<hbm>>) target(%dma_start3A_29 : memref<128x16xf32, #tpu.memory_space<vmem>>) offsets(%dma_start3A_32 : memref<128xi32, #tpu.memory_space<vmem>>) semaphore(%arg7 : memref<!tpu.dma_semaphore, #tpu.memory_space<semaphore_mem>>)
    %dma_start3A_36 = arith.constant 3 : i32
    %dma_start3A_37 = arith.constant 3 : i32
    %dma_start3A_38 = arith.constant 0 : i32
    %dma_start3A_39 = arith.constant 0 : i32
    %dma_start3A_40 = tpu.memref_slice %arg6[%dma_start3A_37, %dma_start3A_38, %dma_start3A_39] : memref<4x128x16xf32, #tpu.memory_space<vmem>> -> memref<1x128x16xf32, #tpu.memory_space<vmem>>
    %dma_start3A_41 = tpu.memref_squeeze %dma_start3A_40 : memref<1x128x16xf32, #tpu.memory_space<vmem>> -> memref<128x16xf32, #tpu.memory_space<vmem>>
    %dma_start3A_42 = arith.constant 0 : i32
    %dma_start3A_43 = tpu.memref_slice %arg5[%dma_start3A_36, %dma_start3A_42] : memref<16x128xi32, #tpu.memory_space<vmem>> -> memref<1x128xi32, #tpu.memory_space<vmem>>
    %dma_start3A_44 = tpu.memref_squeeze %dma_start3A_43 : memref<1x128xi32, #tpu.memory_space<vmem>> -> memref<128xi32, #tpu.memory_space<vmem>>
    %dma_start3A_45 = arith.constant 0 : i32
    %dma_start3A_46 = arith.constant 0 : i32
    %dma_start3A_47 = tpu.memref_slice %arg2[%dma_start3A_45, %dma_start3A_46] : memref<16384x16xf32, #tpu.memory_space<hbm>> -> memref<16384x16xf32, #tpu.memory_space<hbm>>
    tpu.enqueue_indirect_dma source(%dma_start3A_47 : memref<16384x16xf32, #tpu.memory_space<hbm>>) target(%dma_start3A_41 : memref<128x16xf32, #tpu.memory_space<vmem>>) offsets(%dma_start3A_44 : memref<128xi32, #tpu.memory_space<vmem>>) semaphore(%arg7 : memref<!tpu.dma_semaphore, #tpu.memory_space<semaphore_mem>>)
    %dma_wait3A = arith.constant 0 : i32
    %dma_wait3A_48 = arith.constant 0 : i32
    %dma_wait3A_49 = arith.constant 0 : i32
    %dma_wait3A_50 = arith.constant 0 : i32
    %dma_wait3A_51 = tpu.memref_slice %arg6[%dma_wait3A_48, %dma_wait3A_49, %dma_wait3A_50] : memref<4x128x16xf32, #tpu.memory_space<vmem>> -> memref<1x128x16xf32, #tpu.memory_space<vmem>>
    %dma_wait3A_52 = tpu.memref_squeeze %dma_wait3A_51 : memref<1x128x16xf32, #tpu.memory_space<vmem>> -> memref<128x16xf32, #tpu.memory_space<vmem>>
    %dma_wait3A_53 = arith.constant 0 : i32
    %dma_wait3A_54 = tpu.memref_slice %arg5[%dma_wait3A, %dma_wait3A_53] : memref<16x128xi32, #tpu.memory_space<vmem>> -> memref<1x128xi32, #tpu.memory_space<vmem>>
    %dma_wait3A_55 = tpu.memref_squeeze %dma_wait3A_54 : memref<1x128xi32, #tpu.memory_space<vmem>> -> memref<128xi32, #tpu.memory_space<vmem>>
    %dma_wait3A_56 = arith.constant 0 : i32
    %dma_wait3A_57 = arith.constant 0 : i32
    %dma_wait3A_58 = tpu.memref_slice %arg2[%dma_wait3A_56, %dma_wait3A_57] : memref<16384x16xf32, #tpu.memory_space<hbm>> -> memref<16384x16xf32, #tpu.memory_space<hbm>>
    tpu.wait_indirect_dma semaphore(%arg7 : memref<!tpu.dma_semaphore, #tpu.memory_space<semaphore_mem>>) src(%dma_wait3A_58 : memref<16384x16xf32, #tpu.memory_space<hbm>>) dst(%dma_wait3A_52 : memref<128x16xf32, #tpu.memory_space<vmem>>)
    %dma_wait3A_59 = arith.constant 1 : i32
    %dma_wait3A_60 = arith.constant 1 : i32
    %dma_wait3A_61 = arith.constant 0 : i32
    %dma_wait3A_62 = arith.constant 0 : i32
    %dma_wait3A_63 = tpu.memref_slice %arg6[%dma_wait3A_60, %dma_wait3A_61, %dma_wait3A_62] : memref<4x128x16xf32, #tpu.memory_space<vmem>> -> memref<1x128x16xf32, #tpu.memory_space<vmem>>
    %dma_wait3A_64 = tpu.memref_squeeze %dma_wait3A_63 : memref<1x128x16xf32, #tpu.memory_space<vmem>> -> memref<128x16xf32, #tpu.memory_space<vmem>>
    %dma_wait3A_65 = arith.constant 0 : i32
    %dma_wait3A_66 = tpu.memref_slice %arg5[%dma_wait3A_59, %dma_wait3A_65] : memref<16x128xi32, #tpu.memory_space<vmem>> -> memref<1x128xi32, #tpu.memory_space<vmem>>
    %dma_wait3A_67 = tpu.memref_squeeze %dma_wait3A_66 : memref<1x128xi32, #tpu.memory_space<vmem>> -> memref<128xi32, #tpu.memory_space<vmem>>
    %dma_wait3A_68 = arith.constant 0 : i32
    %dma_wait3A_69 = arith.constant 0 : i32
    %dma_wait3A_70 = tpu.memref_slice %arg2[%dma_wait3A_68, %dma_wait3A_69] : memref<16384x16xf32, #tpu.memory_space<hbm>> -> memref<16384x16xf32, #tpu.memory_space<hbm>>
    tpu.wait_indirect_dma semaphore(%arg7 : memref<!tpu.dma_semaphore, #tpu.memory_space<semaphore_mem>>) src(%dma_wait3A_70 : memref<16384x16xf32, #tpu.memory_space<hbm>>) dst(%dma_wait3A_64 : memref<128x16xf32, #tpu.memory_space<vmem>>)
    %dma_wait3A_71 = arith.constant 2 : i32
    %dma_wait3A_72 = arith.constant 2 : i32
    %dma_wait3A_73 = arith.constant 0 : i32
    %dma_wait3A_74 = arith.constant 0 : i32
    %dma_wait3A_75 = tpu.memref_slice %arg6[%dma_wait3A_72, %dma_wait3A_73, %dma_wait3A_74] : memref<4x128x16xf32, #tpu.memory_space<vmem>> -> memref<1x128x16xf32, #tpu.memory_space<vmem>>
    %dma_wait3A_76 = tpu.memref_squeeze %dma_wait3A_75 : memref<1x128x16xf32, #tpu.memory_space<vmem>> -> memref<128x16xf32, #tpu.memory_space<vmem>>
    %dma_wait3A_77 = arith.constant 0 : i32
    %dma_wait3A_78 = tpu.memref_slice %arg5[%dma_wait3A_71, %dma_wait3A_77] : memref<16x128xi32, #tpu.memory_space<vmem>> -> memref<1x128xi32, #tpu.memory_space<vmem>>
    %dma_wait3A_79 = tpu.memref_squeeze %dma_wait3A_78 : memref<1x128xi32, #tpu.memory_space<vmem>> -> memref<128xi32, #tpu.memory_space<vmem>>
    %dma_wait3A_80 = arith.constant 0 : i32
    %dma_wait3A_81 = arith.constant 0 : i32
    %dma_wait3A_82 = tpu.memref_slice %arg2[%dma_wait3A_80, %dma_wait3A_81] : memref<16384x16xf32, #tpu.memory_space<hbm>> -> memref<16384x16xf32, #tpu.memory_space<hbm>>
    tpu.wait_indirect_dma semaphore(%arg7 : memref<!tpu.dma_semaphore, #tpu.memory_space<semaphore_mem>>) src(%dma_wait3A_82 : memref<16384x16xf32, #tpu.memory_space<hbm>>) dst(%dma_wait3A_76 : memref<128x16xf32, #tpu.memory_space<vmem>>)
    %dma_wait3A_83 = arith.constant 3 : i32
    %dma_wait3A_84 = arith.constant 3 : i32
    %dma_wait3A_85 = arith.constant 0 : i32
    %dma_wait3A_86 = arith.constant 0 : i32
    %dma_wait3A_87 = tpu.memref_slice %arg6[%dma_wait3A_84, %dma_wait3A_85, %dma_wait3A_86] : memref<4x128x16xf32, #tpu.memory_space<vmem>> -> memref<1x128x16xf32, #tpu.memory_space<vmem>>
    %dma_wait3A_88 = tpu.memref_squeeze %dma_wait3A_87 : memref<1x128x16xf32, #tpu.memory_space<vmem>> -> memref<128x16xf32, #tpu.memory_space<vmem>>
    %dma_wait3A_89 = arith.constant 0 : i32
    %dma_wait3A_90 = tpu.memref_slice %arg5[%dma_wait3A_83, %dma_wait3A_89] : memref<16x128xi32, #tpu.memory_space<vmem>> -> memref<1x128xi32, #tpu.memory_space<vmem>>
    %dma_wait3A_91 = tpu.memref_squeeze %dma_wait3A_90 : memref<1x128xi32, #tpu.memory_space<vmem>> -> memref<128xi32, #tpu.memory_space<vmem>>
    %dma_wait3A_92 = arith.constant 0 : i32
    %dma_wait3A_93 = arith.constant 0 : i32
    %dma_wait3A_94 = tpu.memref_slice %arg2[%dma_wait3A_92, %dma_wait3A_93] : memref<16384x16xf32, #tpu.memory_space<hbm>> -> memref<16384x16xf32, #tpu.memory_space<hbm>>
    tpu.wait_indirect_dma semaphore(%arg7 : memref<!tpu.dma_semaphore, #tpu.memory_space<semaphore_mem>>) src(%dma_wait3A_94 : memref<16384x16xf32, #tpu.memory_space<hbm>>) dst(%dma_wait3A_88 : memref<128x16xf32, #tpu.memory_space<vmem>>)
    "tpu.region"() ({
      %run_scoped3A = tpu.sem_alloc : memref<!tpu.dma_semaphore, #tpu.memory_space<semaphore_mem>>
      %dma_start3A_383 = arith.constant 0 : i32
      %dma_start3A_384 = arith.constant 0 : i32
      %dma_start3A_385 = arith.constant 0 : i32
      %dma_start3A_386 = tpu.memref_slice %arg4[%add3A, %dma_start3A_383, %dma_start3A_384, %dma_start3A_385] : memref<32x16x128x16xf32, #tpu.memory_space<hbm>> -> memref<1x4x128x16xf32, #tpu.memory_space<hbm>>
      %dma_start3A_387 = tpu.memref_squeeze %dma_start3A_386 : memref<1x4x128x16xf32, #tpu.memory_space<hbm>> -> memref<4x128x16xf32, #tpu.memory_space<hbm>>
      %dma_start3A_388 = arith.constant 0 : i32
      %dma_start3A_389 = arith.constant 0 : i32
      %dma_start3A_390 = arith.constant 0 : i32
      %dma_start3A_391 = tpu.memref_slice %arg4[%add3A, %dma_start3A_388, %dma_start3A_389, %dma_start3A_390] : memref<32x16x128x16xf32, #tpu.memory_space<hbm>> -> memref<1x4x128x16xf32, #tpu.memory_space<hbm>>
      %dma_start3A_392 = tpu.memref_squeeze %dma_start3A_391 : memref<1x4x128x16xf32, #tpu.memory_space<hbm>> -> memref<4x128x16xf32, #tpu.memory_space<hbm>>
      tpu.enqueue_dma source(%arg6 : memref<4x128x16xf32, #tpu.memory_space<vmem>>) target(%dma_start3A_392 : memref<4x128x16xf32, #tpu.memory_space<hbm>>) target_semaphore(%run_scoped3A : memref<!tpu.dma_semaphore, #tpu.memory_space<semaphore_mem>>)
      %dma_wait3A_393 = arith.constant 0 : i32
      %dma_wait3A_394 = arith.constant 0 : i32
      %dma_wait3A_395 = arith.constant 0 : i32
      %dma_wait3A_396 = tpu.memref_slice %arg4[%add3A, %dma_wait3A_393, %dma_wait3A_394, %dma_wait3A_395] : memref<32x16x128x16xf32, #tpu.memory_space<hbm>> -> memref<1x4x128x16xf32, #tpu.memory_space<hbm>>
      %dma_wait3A_397 = tpu.memref_squeeze %dma_wait3A_396 : memref<1x4x128x16xf32, #tpu.memory_space<hbm>> -> memref<4x128x16xf32, #tpu.memory_space<hbm>>
      %dma_wait3A_398 = arith.constant 0 : i32
      %dma_wait3A_399 = arith.constant 0 : i32
      %dma_wait3A_400 = arith.constant 0 : i32
      %dma_wait3A_401 = tpu.memref_slice %arg4[%add3A, %dma_wait3A_398, %dma_wait3A_399, %dma_wait3A_400] : memref<32x16x128x16xf32, #tpu.memory_space<hbm>> -> memref<1x4x128x16xf32, #tpu.memory_space<hbm>>
      %dma_wait3A_402 = tpu.memref_squeeze %dma_wait3A_401 : memref<1x4x128x16xf32, #tpu.memory_space<hbm>> -> memref<4x128x16xf32, #tpu.memory_space<hbm>>
      tpu.wait_dma2 semaphore(%run_scoped3A : memref<!tpu.dma_semaphore, #tpu.memory_space<semaphore_mem>>) src(%arg6 : memref<4x128x16xf32, #tpu.memory_space<vmem>>) dst(%dma_wait3A_402 : memref<4x128x16xf32, #tpu.memory_space<hbm>>)
      tpu.yield
    }) : () -> ()
    %dma_start3A_95 = arith.constant 4 : i32
    %dma_start3A_96 = arith.constant 0 : i32
    %dma_start3A_97 = arith.constant 0 : i32
    %dma_start3A_98 = arith.constant 0 : i32
    %dma_start3A_99 = tpu.memref_slice %arg6[%dma_start3A_96, %dma_start3A_97, %dma_start3A_98] : memref<4x128x16xf32, #tpu.memory_space<vmem>> -> memref<1x128x16xf32, #tpu.memory_space<vmem>>
    %dma_start3A_100 = tpu.memref_squeeze %dma_start3A_99 : memref<1x128x16xf32, #tpu.memory_space<vmem>> -> memref<128x16xf32, #tpu.memory_space<vmem>>
    %dma_start3A_101 = arith.constant 0 : i32
    %dma_start3A_102 = tpu.memref_slice %arg5[%dma_start3A_95, %dma_start3A_101] : memref<16x128xi32, #tpu.memory_space<vmem>> -> memref<1x128xi32, #tpu.memory_space<vmem>>
    %dma_start3A_103 = tpu.memref_squeeze %dma_start3A_102 : memref<1x128xi32, #tpu.memory_space<vmem>> -> memref<128xi32, #tpu.memory_space<vmem>>
    %dma_start3A_104 = arith.constant 0 : i32
    %dma_start3A_105 = arith.constant 0 : i32
    %dma_start3A_106 = tpu.memref_slice %arg2[%dma_start3A_104, %dma_start3A_105] : memref<16384x16xf32, #tpu.memory_space<hbm>> -> memref<16384x16xf32, #tpu.memory_space<hbm>>
    tpu.enqueue_indirect_dma source(%dma_start3A_106 : memref<16384x16xf32, #tpu.memory_space<hbm>>) target(%dma_start3A_100 : memref<128x16xf32, #tpu.memory_space<vmem>>) offsets(%dma_start3A_103 : memref<128xi32, #tpu.memory_space<vmem>>) semaphore(%arg7 : memref<!tpu.dma_semaphore, #tpu.memory_space<semaphore_mem>>)
    %dma_start3A_107 = arith.constant 5 : i32
    %dma_start3A_108 = arith.constant 1 : i32
    %dma_start3A_109 = arith.constant 0 : i32
    %dma_start3A_110 = arith.constant 0 : i32
    %dma_start3A_111 = tpu.memref_slice %arg6[%dma_start3A_108, %dma_start3A_109, %dma_start3A_110] : memref<4x128x16xf32, #tpu.memory_space<vmem>> -> memref<1x128x16xf32, #tpu.memory_space<vmem>>
    %dma_start3A_112 = tpu.memref_squeeze %dma_start3A_111 : memref<1x128x16xf32, #tpu.memory_space<vmem>> -> memref<128x16xf32, #tpu.memory_space<vmem>>
    %dma_start3A_113 = arith.constant 0 : i32
    %dma_start3A_114 = tpu.memref_slice %arg5[%dma_start3A_107, %dma_start3A_113] : memref<16x128xi32, #tpu.memory_space<vmem>> -> memref<1x128xi32, #tpu.memory_space<vmem>>
    %dma_start3A_115 = tpu.memref_squeeze %dma_start3A_114 : memref<1x128xi32, #tpu.memory_space<vmem>> -> memref<128xi32, #tpu.memory_space<vmem>>
    %dma_start3A_116 = arith.constant 0 : i32
    %dma_start3A_117 = arith.constant 0 : i32
    %dma_start3A_118 = tpu.memref_slice %arg2[%dma_start3A_116, %dma_start3A_117] : memref<16384x16xf32, #tpu.memory_space<hbm>> -> memref<16384x16xf32, #tpu.memory_space<hbm>>
    tpu.enqueue_indirect_dma source(%dma_start3A_118 : memref<16384x16xf32, #tpu.memory_space<hbm>>) target(%dma_start3A_112 : memref<128x16xf32, #tpu.memory_space<vmem>>) offsets(%dma_start3A_115 : memref<128xi32, #tpu.memory_space<vmem>>) semaphore(%arg7 : memref<!tpu.dma_semaphore, #tpu.memory_space<semaphore_mem>>)
    %dma_start3A_119 = arith.constant 6 : i32
    %dma_start3A_120 = arith.constant 2 : i32
    %dma_start3A_121 = arith.constant 0 : i32
    %dma_start3A_122 = arith.constant 0 : i32
    %dma_start3A_123 = tpu.memref_slice %arg6[%dma_start3A_120, %dma_start3A_121, %dma_start3A_122] : memref<4x128x16xf32, #tpu.memory_space<vmem>> -> memref<1x128x16xf32, #tpu.memory_space<vmem>>
    %dma_start3A_124 = tpu.memref_squeeze %dma_start3A_123 : memref<1x128x16xf32, #tpu.memory_space<vmem>> -> memref<128x16xf32, #tpu.memory_space<vmem>>
    %dma_start3A_125 = arith.constant 0 : i32
    %dma_start3A_126 = tpu.memref_slice %arg5[%dma_start3A_119, %dma_start3A_125] : memref<16x128xi32, #tpu.memory_space<vmem>> -> memref<1x128xi32, #tpu.memory_space<vmem>>
    %dma_start3A_127 = tpu.memref_squeeze %dma_start3A_126 : memref<1x128xi32, #tpu.memory_space<vmem>> -> memref<128xi32, #tpu.memory_space<vmem>>
    %dma_start3A_128 = arith.constant 0 : i32
    %dma_start3A_129 = arith.constant 0 : i32
    %dma_start3A_130 = tpu.memref_slice %arg2[%dma_start3A_128, %dma_start3A_129] : memref<16384x16xf32, #tpu.memory_space<hbm>> -> memref<16384x16xf32, #tpu.memory_space<hbm>>
    tpu.enqueue_indirect_dma source(%dma_start3A_130 : memref<16384x16xf32, #tpu.memory_space<hbm>>) target(%dma_start3A_124 : memref<128x16xf32, #tpu.memory_space<vmem>>) offsets(%dma_start3A_127 : memref<128xi32, #tpu.memory_space<vmem>>) semaphore(%arg7 : memref<!tpu.dma_semaphore, #tpu.memory_space<semaphore_mem>>)
    %dma_start3A_131 = arith.constant 7 : i32
    %dma_start3A_132 = arith.constant 3 : i32
    %dma_start3A_133 = arith.constant 0 : i32
    %dma_start3A_134 = arith.constant 0 : i32
    %dma_start3A_135 = tpu.memref_slice %arg6[%dma_start3A_132, %dma_start3A_133, %dma_start3A_134] : memref<4x128x16xf32, #tpu.memory_space<vmem>> -> memref<1x128x16xf32, #tpu.memory_space<vmem>>
    %dma_start3A_136 = tpu.memref_squeeze %dma_start3A_135 : memref<1x128x16xf32, #tpu.memory_space<vmem>> -> memref<128x16xf32, #tpu.memory_space<vmem>>
    %dma_start3A_137 = arith.constant 0 : i32
    %dma_start3A_138 = tpu.memref_slice %arg5[%dma_start3A_131, %dma_start3A_137] : memref<16x128xi32, #tpu.memory_space<vmem>> -> memref<1x128xi32, #tpu.memory_space<vmem>>
    %dma_start3A_139 = tpu.memref_squeeze %dma_start3A_138 : memref<1x128xi32, #tpu.memory_space<vmem>> -> memref<128xi32, #tpu.memory_space<vmem>>
    %dma_start3A_140 = arith.constant 0 : i32
    %dma_start3A_141 = arith.constant 0 : i32
    %dma_start3A_142 = tpu.memref_slice %arg2[%dma_start3A_140, %dma_start3A_141] : memref<16384x16xf32, #tpu.memory_space<hbm>> -> memref<16384x16xf32, #tpu.memory_space<hbm>>
    tpu.enqueue_indirect_dma source(%dma_start3A_142 : memref<16384x16xf32, #tpu.memory_space<hbm>>) target(%dma_start3A_136 : memref<128x16xf32, #tpu.memory_space<vmem>>) offsets(%dma_start3A_139 : memref<128xi32, #tpu.memory_space<vmem>>) semaphore(%arg7 : memref<!tpu.dma_semaphore, #tpu.memory_space<semaphore_mem>>)
    %dma_wait3A_143 = arith.constant 4 : i32
    %dma_wait3A_144 = arith.constant 0 : i32
    %dma_wait3A_145 = arith.constant 0 : i32
    %dma_wait3A_146 = arith.constant 0 : i32
    %dma_wait3A_147 = tpu.memref_slice %arg6[%dma_wait3A_144, %dma_wait3A_145, %dma_wait3A_146] : memref<4x128x16xf32, #tpu.memory_space<vmem>> -> memref<1x128x16xf32, #tpu.memory_space<vmem>>
    %dma_wait3A_148 = tpu.memref_squeeze %dma_wait3A_147 : memref<1x128x16xf32, #tpu.memory_space<vmem>> -> memref<128x16xf32, #tpu.memory_space<vmem>>
    %dma_wait3A_149 = arith.constant 0 : i32
    %dma_wait3A_150 = tpu.memref_slice %arg5[%dma_wait3A_143, %dma_wait3A_149] : memref<16x128xi32, #tpu.memory_space<vmem>> -> memref<1x128xi32, #tpu.memory_space<vmem>>
    %dma_wait3A_151 = tpu.memref_squeeze %dma_wait3A_150 : memref<1x128xi32, #tpu.memory_space<vmem>> -> memref<128xi32, #tpu.memory_space<vmem>>
    %dma_wait3A_152 = arith.constant 0 : i32
    %dma_wait3A_153 = arith.constant 0 : i32
    %dma_wait3A_154 = tpu.memref_slice %arg2[%dma_wait3A_152, %dma_wait3A_153] : memref<16384x16xf32, #tpu.memory_space<hbm>> -> memref<16384x16xf32, #tpu.memory_space<hbm>>
    tpu.wait_indirect_dma semaphore(%arg7 : memref<!tpu.dma_semaphore, #tpu.memory_space<semaphore_mem>>) src(%dma_wait3A_154 : memref<16384x16xf32, #tpu.memory_space<hbm>>) dst(%dma_wait3A_148 : memref<128x16xf32, #tpu.memory_space<vmem>>)
    %dma_wait3A_155 = arith.constant 5 : i32
    %dma_wait3A_156 = arith.constant 1 : i32
    %dma_wait3A_157 = arith.constant 0 : i32
    %dma_wait3A_158 = arith.constant 0 : i32
    %dma_wait3A_159 = tpu.memref_slice %arg6[%dma_wait3A_156, %dma_wait3A_157, %dma_wait3A_158] : memref<4x128x16xf32, #tpu.memory_space<vmem>> -> memref<1x128x16xf32, #tpu.memory_space<vmem>>
    %dma_wait3A_160 = tpu.memref_squeeze %dma_wait3A_159 : memref<1x128x16xf32, #tpu.memory_space<vmem>> -> memref<128x16xf32, #tpu.memory_space<vmem>>
    %dma_wait3A_161 = arith.constant 0 : i32
    %dma_wait3A_162 = tpu.memref_slice %arg5[%dma_wait3A_155, %dma_wait3A_161] : memref<16x128xi32, #tpu.memory_space<vmem>> -> memref<1x128xi32, #tpu.memory_space<vmem>>
    %dma_wait3A_163 = tpu.memref_squeeze %dma_wait3A_162 : memref<1x128xi32, #tpu.memory_space<vmem>> -> memref<128xi32, #tpu.memory_space<vmem>>
    %dma_wait3A_164 = arith.constant 0 : i32
    %dma_wait3A_165 = arith.constant 0 : i32
    %dma_wait3A_166 = tpu.memref_slice %arg2[%dma_wait3A_164, %dma_wait3A_165] : memref<16384x16xf32, #tpu.memory_space<hbm>> -> memref<16384x16xf32, #tpu.memory_space<hbm>>
    tpu.wait_indirect_dma semaphore(%arg7 : memref<!tpu.dma_semaphore, #tpu.memory_space<semaphore_mem>>) src(%dma_wait3A_166 : memref<16384x16xf32, #tpu.memory_space<hbm>>) dst(%dma_wait3A_160 : memref<128x16xf32, #tpu.memory_space<vmem>>)
    %dma_wait3A_167 = arith.constant 6 : i32
    %dma_wait3A_168 = arith.constant 2 : i32
    %dma_wait3A_169 = arith.constant 0 : i32
    %dma_wait3A_170 = arith.constant 0 : i32
    %dma_wait3A_171 = tpu.memref_slice %arg6[%dma_wait3A_168, %dma_wait3A_169, %dma_wait3A_170] : memref<4x128x16xf32, #tpu.memory_space<vmem>> -> memref<1x128x16xf32, #tpu.memory_space<vmem>>
    %dma_wait3A_172 = tpu.memref_squeeze %dma_wait3A_171 : memref<1x128x16xf32, #tpu.memory_space<vmem>> -> memref<128x16xf32, #tpu.memory_space<vmem>>
    %dma_wait3A_173 = arith.constant 0 : i32
    %dma_wait3A_174 = tpu.memref_slice %arg5[%dma_wait3A_167, %dma_wait3A_173] : memref<16x128xi32, #tpu.memory_space<vmem>> -> memref<1x128xi32, #tpu.memory_space<vmem>>
    %dma_wait3A_175 = tpu.memref_squeeze %dma_wait3A_174 : memref<1x128xi32, #tpu.memory_space<vmem>> -> memref<128xi32, #tpu.memory_space<vmem>>
    %dma_wait3A_176 = arith.constant 0 : i32
    %dma_wait3A_177 = arith.constant 0 : i32
    %dma_wait3A_178 = tpu.memref_slice %arg2[%dma_wait3A_176, %dma_wait3A_177] : memref<16384x16xf32, #tpu.memory_space<hbm>> -> memref<16384x16xf32, #tpu.memory_space<hbm>>
    tpu.wait_indirect_dma semaphore(%arg7 : memref<!tpu.dma_semaphore, #tpu.memory_space<semaphore_mem>>) src(%dma_wait3A_178 : memref<16384x16xf32, #tpu.memory_space<hbm>>) dst(%dma_wait3A_172 : memref<128x16xf32, #tpu.memory_space<vmem>>)
    %dma_wait3A_179 = arith.constant 7 : i32
    %dma_wait3A_180 = arith.constant 3 : i32
    %dma_wait3A_181 = arith.constant 0 : i32
    %dma_wait3A_182 = arith.constant 0 : i32
    %dma_wait3A_183 = tpu.memref_slice %arg6[%dma_wait3A_180, %dma_wait3A_181, %dma_wait3A_182] : memref<4x128x16xf32, #tpu.memory_space<vmem>> -> memref<1x128x16xf32, #tpu.memory_space<vmem>>
    %dma_wait3A_184 = tpu.memref_squeeze %dma_wait3A_183 : memref<1x128x16xf32, #tpu.memory_space<vmem>> -> memref<128x16xf32, #tpu.memory_space<vmem>>
    %dma_wait3A_185 = arith.constant 0 : i32
    %dma_wait3A_186 = tpu.memref_slice %arg5[%dma_wait3A_179, %dma_wait3A_185] : memref<16x128xi32, #tpu.memory_space<vmem>> -> memref<1x128xi32, #tpu.memory_space<vmem>>
    %dma_wait3A_187 = tpu.memref_squeeze %dma_wait3A_186 : memref<1x128xi32, #tpu.memory_space<vmem>> -> memref<128xi32, #tpu.memory_space<vmem>>
    %dma_wait3A_188 = arith.constant 0 : i32
    %dma_wait3A_189 = arith.constant 0 : i32
    %dma_wait3A_190 = tpu.memref_slice %arg2[%dma_wait3A_188, %dma_wait3A_189] : memref<16384x16xf32, #tpu.memory_space<hbm>> -> memref<16384x16xf32, #tpu.memory_space<hbm>>
    tpu.wait_indirect_dma semaphore(%arg7 : memref<!tpu.dma_semaphore, #tpu.memory_space<semaphore_mem>>) src(%dma_wait3A_190 : memref<16384x16xf32, #tpu.memory_space<hbm>>) dst(%dma_wait3A_184 : memref<128x16xf32, #tpu.memory_space<vmem>>)
    "tpu.region"() ({
      %run_scoped3A = tpu.sem_alloc : memref<!tpu.dma_semaphore, #tpu.memory_space<semaphore_mem>>
      %dma_start3A_383 = arith.constant 4 : i32
      %dma_start3A_384 = arith.constant 0 : i32
      %dma_start3A_385 = arith.constant 0 : i32
      %dma_start3A_386 = tpu.memref_slice %arg4[%add3A, %dma_start3A_383, %dma_start3A_384, %dma_start3A_385] : memref<32x16x128x16xf32, #tpu.memory_space<hbm>> -> memref<1x4x128x16xf32, #tpu.memory_space<hbm>>
      %dma_start3A_387 = tpu.memref_squeeze %dma_start3A_386 : memref<1x4x128x16xf32, #tpu.memory_space<hbm>> -> memref<4x128x16xf32, #tpu.memory_space<hbm>>
      %dma_start3A_388 = arith.constant 4 : i32
      %dma_start3A_389 = arith.constant 0 : i32
      %dma_start3A_390 = arith.constant 0 : i32
      %dma_start3A_391 = tpu.memref_slice %arg4[%add3A, %dma_start3A_388, %dma_start3A_389, %dma_start3A_390] : memref<32x16x128x16xf32, #tpu.memory_space<hbm>> -> memref<1x4x128x16xf32, #tpu.memory_space<hbm>>
      %dma_start3A_392 = tpu.memref_squeeze %dma_start3A_391 : memref<1x4x128x16xf32, #tpu.memory_space<hbm>> -> memref<4x128x16xf32, #tpu.memory_space<hbm>>
      tpu.enqueue_dma source(%arg6 : memref<4x128x16xf32, #tpu.memory_space<vmem>>) target(%dma_start3A_392 : memref<4x128x16xf32, #tpu.memory_space<hbm>>) target_semaphore(%run_scoped3A : memref<!tpu.dma_semaphore, #tpu.memory_space<semaphore_mem>>)
      %dma_wait3A_393 = arith.constant 4 : i32
      %dma_wait3A_394 = arith.constant 0 : i32
      %dma_wait3A_395 = arith.constant 0 : i32
      %dma_wait3A_396 = tpu.memref_slice %arg4[%add3A, %dma_wait3A_393, %dma_wait3A_394, %dma_wait3A_395] : memref<32x16x128x16xf32, #tpu.memory_space<hbm>> -> memref<1x4x128x16xf32, #tpu.memory_space<hbm>>
      %dma_wait3A_397 = tpu.memref_squeeze %dma_wait3A_396 : memref<1x4x128x16xf32, #tpu.memory_space<hbm>> -> memref<4x128x16xf32, #tpu.memory_space<hbm>>
      %dma_wait3A_398 = arith.constant 4 : i32
      %dma_wait3A_399 = arith.constant 0 : i32
      %dma_wait3A_400 = arith.constant 0 : i32
      %dma_wait3A_401 = tpu.memref_slice %arg4[%add3A, %dma_wait3A_398, %dma_wait3A_399, %dma_wait3A_400] : memref<32x16x128x16xf32, #tpu.memory_space<hbm>> -> memref<1x4x128x16xf32, #tpu.memory_space<hbm>>
      %dma_wait3A_402 = tpu.memref_squeeze %dma_wait3A_401 : memref<1x4x128x16xf32, #tpu.memory_space<hbm>> -> memref<4x128x16xf32, #tpu.memory_space<hbm>>
      tpu.wait_dma2 semaphore(%run_scoped3A : memref<!tpu.dma_semaphore, #tpu.memory_space<semaphore_mem>>) src(%arg6 : memref<4x128x16xf32, #tpu.memory_space<vmem>>) dst(%dma_wait3A_402 : memref<4x128x16xf32, #tpu.memory_space<hbm>>)
      tpu.yield
    }) : () -> ()
    %dma_start3A_191 = arith.constant 8 : i32
    %dma_start3A_192 = arith.constant 0 : i32
    %dma_start3A_193 = arith.constant 0 : i32
    %dma_start3A_194 = arith.constant 0 : i32
    %dma_start3A_195 = tpu.memref_slice %arg6[%dma_start3A_192, %dma_start3A_193, %dma_start3A_194] : memref<4x128x16xf32, #tpu.memory_space<vmem>> -> memref<1x128x16xf32, #tpu.memory_space<vmem>>
    %dma_start3A_196 = tpu.memref_squeeze %dma_start3A_195 : memref<1x128x16xf32, #tpu.memory_space<vmem>> -> memref<128x16xf32, #tpu.memory_space<vmem>>
    %dma_start3A_197 = arith.constant 0 : i32
    %dma_start3A_198 = tpu.memref_slice %arg5[%dma_start3A_191, %dma_start3A_197] : memref<16x128xi32, #tpu.memory_space<vmem>> -> memref<1x128xi32, #tpu.memory_space<vmem>>
    %dma_start3A_199 = tpu.memref_squeeze %dma_start3A_198 : memref<1x128xi32, #tpu.memory_space<vmem>> -> memref<128xi32, #tpu.memory_space<vmem>>
    %dma_start3A_200 = arith.constant 0 : i32
    %dma_start3A_201 = arith.constant 0 : i32
    %dma_start3A_202 = tpu.memref_slice %arg2[%dma_start3A_200, %dma_start3A_201] : memref<16384x16xf32, #tpu.memory_space<hbm>> -> memref<16384x16xf32, #tpu.memory_space<hbm>>
    tpu.enqueue_indirect_dma source(%dma_start3A_202 : memref<16384x16xf32, #tpu.memory_space<hbm>>) target(%dma_start3A_196 : memref<128x16xf32, #tpu.memory_space<vmem>>) offsets(%dma_start3A_199 : memref<128xi32, #tpu.memory_space<vmem>>) semaphore(%arg7 : memref<!tpu.dma_semaphore, #tpu.memory_space<semaphore_mem>>)
    %dma_start3A_203 = arith.constant 9 : i32
    %dma_start3A_204 = arith.constant 1 : i32
    %dma_start3A_205 = arith.constant 0 : i32
    %dma_start3A_206 = arith.constant 0 : i32
    %dma_start3A_207 = tpu.memref_slice %arg6[%dma_start3A_204, %dma_start3A_205, %dma_start3A_206] : memref<4x128x16xf32, #tpu.memory_space<vmem>> -> memref<1x128x16xf32, #tpu.memory_space<vmem>>
    %dma_start3A_208 = tpu.memref_squeeze %dma_start3A_207 : memref<1x128x16xf32, #tpu.memory_space<vmem>> -> memref<128x16xf32, #tpu.memory_space<vmem>>
    %dma_start3A_209 = arith.constant 0 : i32
    %dma_start3A_210 = tpu.memref_slice %arg5[%dma_start3A_203, %dma_start3A_209] : memref<16x128xi32, #tpu.memory_space<vmem>> -> memref<1x128xi32, #tpu.memory_space<vmem>>
    %dma_start3A_211 = tpu.memref_squeeze %dma_start3A_210 : memref<1x128xi32, #tpu.memory_space<vmem>> -> memref<128xi32, #tpu.memory_space<vmem>>
    %dma_start3A_212 = arith.constant 0 : i32
    %dma_start3A_213 = arith.constant 0 : i32
    %dma_start3A_214 = tpu.memref_slice %arg2[%dma_start3A_212, %dma_start3A_213] : memref<16384x16xf32, #tpu.memory_space<hbm>> -> memref<16384x16xf32, #tpu.memory_space<hbm>>
    tpu.enqueue_indirect_dma source(%dma_start3A_214 : memref<16384x16xf32, #tpu.memory_space<hbm>>) target(%dma_start3A_208 : memref<128x16xf32, #tpu.memory_space<vmem>>) offsets(%dma_start3A_211 : memref<128xi32, #tpu.memory_space<vmem>>) semaphore(%arg7 : memref<!tpu.dma_semaphore, #tpu.memory_space<semaphore_mem>>)
    %dma_start3A_215 = arith.constant 10 : i32
    %dma_start3A_216 = arith.constant 2 : i32
    %dma_start3A_217 = arith.constant 0 : i32
    %dma_start3A_218 = arith.constant 0 : i32
    %dma_start3A_219 = tpu.memref_slice %arg6[%dma_start3A_216, %dma_start3A_217, %dma_start3A_218] : memref<4x128x16xf32, #tpu.memory_space<vmem>> -> memref<1x128x16xf32, #tpu.memory_space<vmem>>
    %dma_start3A_220 = tpu.memref_squeeze %dma_start3A_219 : memref<1x128x16xf32, #tpu.memory_space<vmem>> -> memref<128x16xf32, #tpu.memory_space<vmem>>
    %dma_start3A_221 = arith.constant 0 : i32
    %dma_start3A_222 = tpu.memref_slice %arg5[%dma_start3A_215, %dma_start3A_221] : memref<16x128xi32, #tpu.memory_space<vmem>> -> memref<1x128xi32, #tpu.memory_space<vmem>>
    %dma_start3A_223 = tpu.memref_squeeze %dma_start3A_222 : memref<1x128xi32, #tpu.memory_space<vmem>> -> memref<128xi32, #tpu.memory_space<vmem>>
    %dma_start3A_224 = arith.constant 0 : i32
    %dma_start3A_225 = arith.constant 0 : i32
    %dma_start3A_226 = tpu.memref_slice %arg2[%dma_start3A_224, %dma_start3A_225] : memref<16384x16xf32, #tpu.memory_space<hbm>> -> memref<16384x16xf32, #tpu.memory_space<hbm>>
    tpu.enqueue_indirect_dma source(%dma_start3A_226 : memref<16384x16xf32, #tpu.memory_space<hbm>>) target(%dma_start3A_220 : memref<128x16xf32, #tpu.memory_space<vmem>>) offsets(%dma_start3A_223 : memref<128xi32, #tpu.memory_space<vmem>>) semaphore(%arg7 : memref<!tpu.dma_semaphore, #tpu.memory_space<semaphore_mem>>)
    %dma_start3A_227 = arith.constant 11 : i32
    %dma_start3A_228 = arith.constant 3 : i32
    %dma_start3A_229 = arith.constant 0 : i32
    %dma_start3A_230 = arith.constant 0 : i32
    %dma_start3A_231 = tpu.memref_slice %arg6[%dma_start3A_228, %dma_start3A_229, %dma_start3A_230] : memref<4x128x16xf32, #tpu.memory_space<vmem>> -> memref<1x128x16xf32, #tpu.memory_space<vmem>>
    %dma_start3A_232 = tpu.memref_squeeze %dma_start3A_231 : memref<1x128x16xf32, #tpu.memory_space<vmem>> -> memref<128x16xf32, #tpu.memory_space<vmem>>
    %dma_start3A_233 = arith.constant 0 : i32
    %dma_start3A_234 = tpu.memref_slice %arg5[%dma_start3A_227, %dma_start3A_233] : memref<16x128xi32, #tpu.memory_space<vmem>> -> memref<1x128xi32, #tpu.memory_space<vmem>>
    %dma_start3A_235 = tpu.memref_squeeze %dma_start3A_234 : memref<1x128xi32, #tpu.memory_space<vmem>> -> memref<128xi32, #tpu.memory_space<vmem>>
    %dma_start3A_236 = arith.constant 0 : i32
    %dma_start3A_237 = arith.constant 0 : i32
    %dma_start3A_238 = tpu.memref_slice %arg2[%dma_start3A_236, %dma_start3A_237] : memref<16384x16xf32, #tpu.memory_space<hbm>> -> memref<16384x16xf32, #tpu.memory_space<hbm>>
    tpu.enqueue_indirect_dma source(%dma_start3A_238 : memref<16384x16xf32, #tpu.memory_space<hbm>>) target(%dma_start3A_232 : memref<128x16xf32, #tpu.memory_space<vmem>>) offsets(%dma_start3A_235 : memref<128xi32, #tpu.memory_space<vmem>>) semaphore(%arg7 : memref<!tpu.dma_semaphore, #tpu.memory_space<semaphore_mem>>)
    %dma_wait3A_239 = arith.constant 8 : i32
    %dma_wait3A_240 = arith.constant 0 : i32
    %dma_wait3A_241 = arith.constant 0 : i32
    %dma_wait3A_242 = arith.constant 0 : i32
    %dma_wait3A_243 = tpu.memref_slice %arg6[%dma_wait3A_240, %dma_wait3A_241, %dma_wait3A_242] : memref<4x128x16xf32, #tpu.memory_space<vmem>> -> memref<1x128x16xf32, #tpu.memory_space<vmem>>
    %dma_wait3A_244 = tpu.memref_squeeze %dma_wait3A_243 : memref<1x128x16xf32, #tpu.memory_space<vmem>> -> memref<128x16xf32, #tpu.memory_space<vmem>>
    %dma_wait3A_245 = arith.constant 0 : i32
    %dma_wait3A_246 = tpu.memref_slice %arg5[%dma_wait3A_239, %dma_wait3A_245] : memref<16x128xi32, #tpu.memory_space<vmem>> -> memref<1x128xi32, #tpu.memory_space<vmem>>
    %dma_wait3A_247 = tpu.memref_squeeze %dma_wait3A_246 : memref<1x128xi32, #tpu.memory_space<vmem>> -> memref<128xi32, #tpu.memory_space<vmem>>
    %dma_wait3A_248 = arith.constant 0 : i32
    %dma_wait3A_249 = arith.constant 0 : i32
    %dma_wait3A_250 = tpu.memref_slice %arg2[%dma_wait3A_248, %dma_wait3A_249] : memref<16384x16xf32, #tpu.memory_space<hbm>> -> memref<16384x16xf32, #tpu.memory_space<hbm>>
    tpu.wait_indirect_dma semaphore(%arg7 : memref<!tpu.dma_semaphore, #tpu.memory_space<semaphore_mem>>) src(%dma_wait3A_250 : memref<16384x16xf32, #tpu.memory_space<hbm>>) dst(%dma_wait3A_244 : memref<128x16xf32, #tpu.memory_space<vmem>>)
    %dma_wait3A_251 = arith.constant 9 : i32
    %dma_wait3A_252 = arith.constant 1 : i32
    %dma_wait3A_253 = arith.constant 0 : i32
    %dma_wait3A_254 = arith.constant 0 : i32
    %dma_wait3A_255 = tpu.memref_slice %arg6[%dma_wait3A_252, %dma_wait3A_253, %dma_wait3A_254] : memref<4x128x16xf32, #tpu.memory_space<vmem>> -> memref<1x128x16xf32, #tpu.memory_space<vmem>>
    %dma_wait3A_256 = tpu.memref_squeeze %dma_wait3A_255 : memref<1x128x16xf32, #tpu.memory_space<vmem>> -> memref<128x16xf32, #tpu.memory_space<vmem>>
    %dma_wait3A_257 = arith.constant 0 : i32
    %dma_wait3A_258 = tpu.memref_slice %arg5[%dma_wait3A_251, %dma_wait3A_257] : memref<16x128xi32, #tpu.memory_space<vmem>> -> memref<1x128xi32, #tpu.memory_space<vmem>>
    %dma_wait3A_259 = tpu.memref_squeeze %dma_wait3A_258 : memref<1x128xi32, #tpu.memory_space<vmem>> -> memref<128xi32, #tpu.memory_space<vmem>>
    %dma_wait3A_260 = arith.constant 0 : i32
    %dma_wait3A_261 = arith.constant 0 : i32
    %dma_wait3A_262 = tpu.memref_slice %arg2[%dma_wait3A_260, %dma_wait3A_261] : memref<16384x16xf32, #tpu.memory_space<hbm>> -> memref<16384x16xf32, #tpu.memory_space<hbm>>
    tpu.wait_indirect_dma semaphore(%arg7 : memref<!tpu.dma_semaphore, #tpu.memory_space<semaphore_mem>>) src(%dma_wait3A_262 : memref<16384x16xf32, #tpu.memory_space<hbm>>) dst(%dma_wait3A_256 : memref<128x16xf32, #tpu.memory_space<vmem>>)
    %dma_wait3A_263 = arith.constant 10 : i32
    %dma_wait3A_264 = arith.constant 2 : i32
    %dma_wait3A_265 = arith.constant 0 : i32
    %dma_wait3A_266 = arith.constant 0 : i32
    %dma_wait3A_267 = tpu.memref_slice %arg6[%dma_wait3A_264, %dma_wait3A_265, %dma_wait3A_266] : memref<4x128x16xf32, #tpu.memory_space<vmem>> -> memref<1x128x16xf32, #tpu.memory_space<vmem>>
    %dma_wait3A_268 = tpu.memref_squeeze %dma_wait3A_267 : memref<1x128x16xf32, #tpu.memory_space<vmem>> -> memref<128x16xf32, #tpu.memory_space<vmem>>
    %dma_wait3A_269 = arith.constant 0 : i32
    %dma_wait3A_270 = tpu.memref_slice %arg5[%dma_wait3A_263, %dma_wait3A_269] : memref<16x128xi32, #tpu.memory_space<vmem>> -> memref<1x128xi32, #tpu.memory_space<vmem>>
    %dma_wait3A_271 = tpu.memref_squeeze %dma_wait3A_270 : memref<1x128xi32, #tpu.memory_space<vmem>> -> memref<128xi32, #tpu.memory_space<vmem>>
    %dma_wait3A_272 = arith.constant 0 : i32
    %dma_wait3A_273 = arith.constant 0 : i32
    %dma_wait3A_274 = tpu.memref_slice %arg2[%dma_wait3A_272, %dma_wait3A_273] : memref<16384x16xf32, #tpu.memory_space<hbm>> -> memref<16384x16xf32, #tpu.memory_space<hbm>>
    tpu.wait_indirect_dma semaphore(%arg7 : memref<!tpu.dma_semaphore, #tpu.memory_space<semaphore_mem>>) src(%dma_wait3A_274 : memref<16384x16xf32, #tpu.memory_space<hbm>>) dst(%dma_wait3A_268 : memref<128x16xf32, #tpu.memory_space<vmem>>)
    %dma_wait3A_275 = arith.constant 11 : i32
    %dma_wait3A_276 = arith.constant 3 : i32
    %dma_wait3A_277 = arith.constant 0 : i32
    %dma_wait3A_278 = arith.constant 0 : i32
    %dma_wait3A_279 = tpu.memref_slice %arg6[%dma_wait3A_276, %dma_wait3A_277, %dma_wait3A_278] : memref<4x128x16xf32, #tpu.memory_space<vmem>> -> memref<1x128x16xf32, #tpu.memory_space<vmem>>
    %dma_wait3A_280 = tpu.memref_squeeze %dma_wait3A_279 : memref<1x128x16xf32, #tpu.memory_space<vmem>> -> memref<128x16xf32, #tpu.memory_space<vmem>>
    %dma_wait3A_281 = arith.constant 0 : i32
    %dma_wait3A_282 = tpu.memref_slice %arg5[%dma_wait3A_275, %dma_wait3A_281] : memref<16x128xi32, #tpu.memory_space<vmem>> -> memref<1x128xi32, #tpu.memory_space<vmem>>
    %dma_wait3A_283 = tpu.memref_squeeze %dma_wait3A_282 : memref<1x128xi32, #tpu.memory_space<vmem>> -> memref<128xi32, #tpu.memory_space<vmem>>
    %dma_wait3A_284 = arith.constant 0 : i32
    %dma_wait3A_285 = arith.constant 0 : i32
    %dma_wait3A_286 = tpu.memref_slice %arg2[%dma_wait3A_284, %dma_wait3A_285] : memref<16384x16xf32, #tpu.memory_space<hbm>> -> memref<16384x16xf32, #tpu.memory_space<hbm>>
    tpu.wait_indirect_dma semaphore(%arg7 : memref<!tpu.dma_semaphore, #tpu.memory_space<semaphore_mem>>) src(%dma_wait3A_286 : memref<16384x16xf32, #tpu.memory_space<hbm>>) dst(%dma_wait3A_280 : memref<128x16xf32, #tpu.memory_space<vmem>>)
    "tpu.region"() ({
      %run_scoped3A = tpu.sem_alloc : memref<!tpu.dma_semaphore, #tpu.memory_space<semaphore_mem>>
      %dma_start3A_383 = arith.constant 8 : i32
      %dma_start3A_384 = arith.constant 0 : i32
      %dma_start3A_385 = arith.constant 0 : i32
      %dma_start3A_386 = tpu.memref_slice %arg4[%add3A, %dma_start3A_383, %dma_start3A_384, %dma_start3A_385] : memref<32x16x128x16xf32, #tpu.memory_space<hbm>> -> memref<1x4x128x16xf32, #tpu.memory_space<hbm>>
      %dma_start3A_387 = tpu.memref_squeeze %dma_start3A_386 : memref<1x4x128x16xf32, #tpu.memory_space<hbm>> -> memref<4x128x16xf32, #tpu.memory_space<hbm>>
      %dma_start3A_388 = arith.constant 8 : i32
      %dma_start3A_389 = arith.constant 0 : i32
      %dma_start3A_390 = arith.constant 0 : i32
      %dma_start3A_391 = tpu.memref_slice %arg4[%add3A, %dma_start3A_388, %dma_start3A_389, %dma_start3A_390] : memref<32x16x128x16xf32, #tpu.memory_space<hbm>> -> memref<1x4x128x16xf32, #tpu.memory_space<hbm>>
      %dma_start3A_392 = tpu.memref_squeeze %dma_start3A_391 : memref<1x4x128x16xf32, #tpu.memory_space<hbm>> -> memref<4x128x16xf32, #tpu.memory_space<hbm>>
      tpu.enqueue_dma source(%arg6 : memref<4x128x16xf32, #tpu.memory_space<vmem>>) target(%dma_start3A_392 : memref<4x128x16xf32, #tpu.memory_space<hbm>>) target_semaphore(%run_scoped3A : memref<!tpu.dma_semaphore, #tpu.memory_space<semaphore_mem>>)
      %dma_wait3A_393 = arith.constant 8 : i32
      %dma_wait3A_394 = arith.constant 0 : i32
      %dma_wait3A_395 = arith.constant 0 : i32
      %dma_wait3A_396 = tpu.memref_slice %arg4[%add3A, %dma_wait3A_393, %dma_wait3A_394, %dma_wait3A_395] : memref<32x16x128x16xf32, #tpu.memory_space<hbm>> -> memref<1x4x128x16xf32, #tpu.memory_space<hbm>>
      %dma_wait3A_397 = tpu.memref_squeeze %dma_wait3A_396 : memref<1x4x128x16xf32, #tpu.memory_space<hbm>> -> memref<4x128x16xf32, #tpu.memory_space<hbm>>
      %dma_wait3A_398 = arith.constant 8 : i32
      %dma_wait3A_399 = arith.constant 0 : i32
      %dma_wait3A_400 = arith.constant 0 : i32
      %dma_wait3A_401 = tpu.memref_slice %arg4[%add3A, %dma_wait3A_398, %dma_wait3A_399, %dma_wait3A_400] : memref<32x16x128x16xf32, #tpu.memory_space<hbm>> -> memref<1x4x128x16xf32, #tpu.memory_space<hbm>>
      %dma_wait3A_402 = tpu.memref_squeeze %dma_wait3A_401 : memref<1x4x128x16xf32, #tpu.memory_space<hbm>> -> memref<4x128x16xf32, #tpu.memory_space<hbm>>
      tpu.wait_dma2 semaphore(%run_scoped3A : memref<!tpu.dma_semaphore, #tpu.memory_space<semaphore_mem>>) src(%arg6 : memref<4x128x16xf32, #tpu.memory_space<vmem>>) dst(%dma_wait3A_402 : memref<4x128x16xf32, #tpu.memory_space<hbm>>)
      tpu.yield
    }) : () -> ()
    %dma_start3A_287 = arith.constant 12 : i32
    %dma_start3A_288 = arith.constant 0 : i32
    %dma_start3A_289 = arith.constant 0 : i32
    %dma_start3A_290 = arith.constant 0 : i32
    %dma_start3A_291 = tpu.memref_slice %arg6[%dma_start3A_288, %dma_start3A_289, %dma_start3A_290] : memref<4x128x16xf32, #tpu.memory_space<vmem>> -> memref<1x128x16xf32, #tpu.memory_space<vmem>>
    %dma_start3A_292 = tpu.memref_squeeze %dma_start3A_291 : memref<1x128x16xf32, #tpu.memory_space<vmem>> -> memref<128x16xf32, #tpu.memory_space<vmem>>
    %dma_start3A_293 = arith.constant 0 : i32
    %dma_start3A_294 = tpu.memref_slice %arg5[%dma_start3A_287, %dma_start3A_293] : memref<16x128xi32, #tpu.memory_space<vmem>> -> memref<1x128xi32, #tpu.memory_space<vmem>>
    %dma_start3A_295 = tpu.memref_squeeze %dma_start3A_294 : memref<1x128xi32, #tpu.memory_space<vmem>> -> memref<128xi32, #tpu.memory_space<vmem>>
    %dma_start3A_296 = arith.constant 0 : i32
    %dma_start3A_297 = arith.constant 0 : i32
    %dma_start3A_298 = tpu.memref_slice %arg2[%dma_start3A_296, %dma_start3A_297] : memref<16384x16xf32, #tpu.memory_space<hbm>> -> memref<16384x16xf32, #tpu.memory_space<hbm>>
    tpu.enqueue_indirect_dma source(%dma_start3A_298 : memref<16384x16xf32, #tpu.memory_space<hbm>>) target(%dma_start3A_292 : memref<128x16xf32, #tpu.memory_space<vmem>>) offsets(%dma_start3A_295 : memref<128xi32, #tpu.memory_space<vmem>>) semaphore(%arg7 : memref<!tpu.dma_semaphore, #tpu.memory_space<semaphore_mem>>)
    %dma_start3A_299 = arith.constant 13 : i32
    %dma_start3A_300 = arith.constant 1 : i32
    %dma_start3A_301 = arith.constant 0 : i32
    %dma_start3A_302 = arith.constant 0 : i32
    %dma_start3A_303 = tpu.memref_slice %arg6[%dma_start3A_300, %dma_start3A_301, %dma_start3A_302] : memref<4x128x16xf32, #tpu.memory_space<vmem>> -> memref<1x128x16xf32, #tpu.memory_space<vmem>>
    %dma_start3A_304 = tpu.memref_squeeze %dma_start3A_303 : memref<1x128x16xf32, #tpu.memory_space<vmem>> -> memref<128x16xf32, #tpu.memory_space<vmem>>
    %dma_start3A_305 = arith.constant 0 : i32
    %dma_start3A_306 = tpu.memref_slice %arg5[%dma_start3A_299, %dma_start3A_305] : memref<16x128xi32, #tpu.memory_space<vmem>> -> memref<1x128xi32, #tpu.memory_space<vmem>>
    %dma_start3A_307 = tpu.memref_squeeze %dma_start3A_306 : memref<1x128xi32, #tpu.memory_space<vmem>> -> memref<128xi32, #tpu.memory_space<vmem>>
    %dma_start3A_308 = arith.constant 0 : i32
    %dma_start3A_309 = arith.constant 0 : i32
    %dma_start3A_310 = tpu.memref_slice %arg2[%dma_start3A_308, %dma_start3A_309] : memref<16384x16xf32, #tpu.memory_space<hbm>> -> memref<16384x16xf32, #tpu.memory_space<hbm>>
    tpu.enqueue_indirect_dma source(%dma_start3A_310 : memref<16384x16xf32, #tpu.memory_space<hbm>>) target(%dma_start3A_304 : memref<128x16xf32, #tpu.memory_space<vmem>>) offsets(%dma_start3A_307 : memref<128xi32, #tpu.memory_space<vmem>>) semaphore(%arg7 : memref<!tpu.dma_semaphore, #tpu.memory_space<semaphore_mem>>)
    %dma_start3A_311 = arith.constant 14 : i32
    %dma_start3A_312 = arith.constant 2 : i32
    %dma_start3A_313 = arith.constant 0 : i32
    %dma_start3A_314 = arith.constant 0 : i32
    %dma_start3A_315 = tpu.memref_slice %arg6[%dma_start3A_312, %dma_start3A_313, %dma_start3A_314] : memref<4x128x16xf32, #tpu.memory_space<vmem>> -> memref<1x128x16xf32, #tpu.memory_space<vmem>>
    %dma_start3A_316 = tpu.memref_squeeze %dma_start3A_315 : memref<1x128x16xf32, #tpu.memory_space<vmem>> -> memref<128x16xf32, #tpu.memory_space<vmem>>
    %dma_start3A_317 = arith.constant 0 : i32
    %dma_start3A_318 = tpu.memref_slice %arg5[%dma_start3A_311, %dma_start3A_317] : memref<16x128xi32, #tpu.memory_space<vmem>> -> memref<1x128xi32, #tpu.memory_space<vmem>>
    %dma_start3A_319 = tpu.memref_squeeze %dma_start3A_318 : memref<1x128xi32, #tpu.memory_space<vmem>> -> memref<128xi32, #tpu.memory_space<vmem>>
    %dma_start3A_320 = arith.constant 0 : i32
    %dma_start3A_321 = arith.constant 0 : i32
    %dma_start3A_322 = tpu.memref_slice %arg2[%dma_start3A_320, %dma_start3A_321] : memref<16384x16xf32, #tpu.memory_space<hbm>> -> memref<16384x16xf32, #tpu.memory_space<hbm>>
    tpu.enqueue_indirect_dma source(%dma_start3A_322 : memref<16384x16xf32, #tpu.memory_space<hbm>>) target(%dma_start3A_316 : memref<128x16xf32, #tpu.memory_space<vmem>>) offsets(%dma_start3A_319 : memref<128xi32, #tpu.memory_space<vmem>>) semaphore(%arg7 : memref<!tpu.dma_semaphore, #tpu.memory_space<semaphore_mem>>)
    %dma_start3A_323 = arith.constant 15 : i32
    %dma_start3A_324 = arith.constant 3 : i32
    %dma_start3A_325 = arith.constant 0 : i32
    %dma_start3A_326 = arith.constant 0 : i32
    %dma_start3A_327 = tpu.memref_slice %arg6[%dma_start3A_324, %dma_start3A_325, %dma_start3A_326] : memref<4x128x16xf32, #tpu.memory_space<vmem>> -> memref<1x128x16xf32, #tpu.memory_space<vmem>>
    %dma_start3A_328 = tpu.memref_squeeze %dma_start3A_327 : memref<1x128x16xf32, #tpu.memory_space<vmem>> -> memref<128x16xf32, #tpu.memory_space<vmem>>
    %dma_start3A_329 = arith.constant 0 : i32
    %dma_start3A_330 = tpu.memref_slice %arg5[%dma_start3A_323, %dma_start3A_329] : memref<16x128xi32, #tpu.memory_space<vmem>> -> memref<1x128xi32, #tpu.memory_space<vmem>>
    %dma_start3A_331 = tpu.memref_squeeze %dma_start3A_330 : memref<1x128xi32, #tpu.memory_space<vmem>> -> memref<128xi32, #tpu.memory_space<vmem>>
    %dma_start3A_332 = arith.constant 0 : i32
    %dma_start3A_333 = arith.constant 0 : i32
    %dma_start3A_334 = tpu.memref_slice %arg2[%dma_start3A_332, %dma_start3A_333] : memref<16384x16xf32, #tpu.memory_space<hbm>> -> memref<16384x16xf32, #tpu.memory_space<hbm>>
    tpu.enqueue_indirect_dma source(%dma_start3A_334 : memref<16384x16xf32, #tpu.memory_space<hbm>>) target(%dma_start3A_328 : memref<128x16xf32, #tpu.memory_space<vmem>>) offsets(%dma_start3A_331 : memref<128xi32, #tpu.memory_space<vmem>>) semaphore(%arg7 : memref<!tpu.dma_semaphore, #tpu.memory_space<semaphore_mem>>)
    %dma_wait3A_335 = arith.constant 12 : i32
    %dma_wait3A_336 = arith.constant 0 : i32
    %dma_wait3A_337 = arith.constant 0 : i32
    %dma_wait3A_338 = arith.constant 0 : i32
    %dma_wait3A_339 = tpu.memref_slice %arg6[%dma_wait3A_336, %dma_wait3A_337, %dma_wait3A_338] : memref<4x128x16xf32, #tpu.memory_space<vmem>> -> memref<1x128x16xf32, #tpu.memory_space<vmem>>
    %dma_wait3A_340 = tpu.memref_squeeze %dma_wait3A_339 : memref<1x128x16xf32, #tpu.memory_space<vmem>> -> memref<128x16xf32, #tpu.memory_space<vmem>>
    %dma_wait3A_341 = arith.constant 0 : i32
    %dma_wait3A_342 = tpu.memref_slice %arg5[%dma_wait3A_335, %dma_wait3A_341] : memref<16x128xi32, #tpu.memory_space<vmem>> -> memref<1x128xi32, #tpu.memory_space<vmem>>
    %dma_wait3A_343 = tpu.memref_squeeze %dma_wait3A_342 : memref<1x128xi32, #tpu.memory_space<vmem>> -> memref<128xi32, #tpu.memory_space<vmem>>
    %dma_wait3A_344 = arith.constant 0 : i32
    %dma_wait3A_345 = arith.constant 0 : i32
    %dma_wait3A_346 = tpu.memref_slice %arg2[%dma_wait3A_344, %dma_wait3A_345] : memref<16384x16xf32, #tpu.memory_space<hbm>> -> memref<16384x16xf32, #tpu.memory_space<hbm>>
    tpu.wait_indirect_dma semaphore(%arg7 : memref<!tpu.dma_semaphore, #tpu.memory_space<semaphore_mem>>) src(%dma_wait3A_346 : memref<16384x16xf32, #tpu.memory_space<hbm>>) dst(%dma_wait3A_340 : memref<128x16xf32, #tpu.memory_space<vmem>>)
    %dma_wait3A_347 = arith.constant 13 : i32
    %dma_wait3A_348 = arith.constant 1 : i32
    %dma_wait3A_349 = arith.constant 0 : i32
    %dma_wait3A_350 = arith.constant 0 : i32
    %dma_wait3A_351 = tpu.memref_slice %arg6[%dma_wait3A_348, %dma_wait3A_349, %dma_wait3A_350] : memref<4x128x16xf32, #tpu.memory_space<vmem>> -> memref<1x128x16xf32, #tpu.memory_space<vmem>>
    %dma_wait3A_352 = tpu.memref_squeeze %dma_wait3A_351 : memref<1x128x16xf32, #tpu.memory_space<vmem>> -> memref<128x16xf32, #tpu.memory_space<vmem>>
    %dma_wait3A_353 = arith.constant 0 : i32
    %dma_wait3A_354 = tpu.memref_slice %arg5[%dma_wait3A_347, %dma_wait3A_353] : memref<16x128xi32, #tpu.memory_space<vmem>> -> memref<1x128xi32, #tpu.memory_space<vmem>>
    %dma_wait3A_355 = tpu.memref_squeeze %dma_wait3A_354 : memref<1x128xi32, #tpu.memory_space<vmem>> -> memref<128xi32, #tpu.memory_space<vmem>>
    %dma_wait3A_356 = arith.constant 0 : i32
    %dma_wait3A_357 = arith.constant 0 : i32
    %dma_wait3A_358 = tpu.memref_slice %arg2[%dma_wait3A_356, %dma_wait3A_357] : memref<16384x16xf32, #tpu.memory_space<hbm>> -> memref<16384x16xf32, #tpu.memory_space<hbm>>
    tpu.wait_indirect_dma semaphore(%arg7 : memref<!tpu.dma_semaphore, #tpu.memory_space<semaphore_mem>>) src(%dma_wait3A_358 : memref<16384x16xf32, #tpu.memory_space<hbm>>) dst(%dma_wait3A_352 : memref<128x16xf32, #tpu.memory_space<vmem>>)
    %dma_wait3A_359 = arith.constant 14 : i32
    %dma_wait3A_360 = arith.constant 2 : i32
    %dma_wait3A_361 = arith.constant 0 : i32
    %dma_wait3A_362 = arith.constant 0 : i32
    %dma_wait3A_363 = tpu.memref_slice %arg6[%dma_wait3A_360, %dma_wait3A_361, %dma_wait3A_362] : memref<4x128x16xf32, #tpu.memory_space<vmem>> -> memref<1x128x16xf32, #tpu.memory_space<vmem>>
    %dma_wait3A_364 = tpu.memref_squeeze %dma_wait3A_363 : memref<1x128x16xf32, #tpu.memory_space<vmem>> -> memref<128x16xf32, #tpu.memory_space<vmem>>
    %dma_wait3A_365 = arith.constant 0 : i32
    %dma_wait3A_366 = tpu.memref_slice %arg5[%dma_wait3A_359, %dma_wait3A_365] : memref<16x128xi32, #tpu.memory_space<vmem>> -> memref<1x128xi32, #tpu.memory_space<vmem>>
    %dma_wait3A_367 = tpu.memref_squeeze %dma_wait3A_366 : memref<1x128xi32, #tpu.memory_space<vmem>> -> memref<128xi32, #tpu.memory_space<vmem>>
    %dma_wait3A_368 = arith.constant 0 : i32
    %dma_wait3A_369 = arith.constant 0 : i32
    %dma_wait3A_370 = tpu.memref_slice %arg2[%dma_wait3A_368, %dma_wait3A_369] : memref<16384x16xf32, #tpu.memory_space<hbm>> -> memref<16384x16xf32, #tpu.memory_space<hbm>>
    tpu.wait_indirect_dma semaphore(%arg7 : memref<!tpu.dma_semaphore, #tpu.memory_space<semaphore_mem>>) src(%dma_wait3A_370 : memref<16384x16xf32, #tpu.memory_space<hbm>>) dst(%dma_wait3A_364 : memref<128x16xf32, #tpu.memory_space<vmem>>)
    %dma_wait3A_371 = arith.constant 15 : i32
    %dma_wait3A_372 = arith.constant 3 : i32
    %dma_wait3A_373 = arith.constant 0 : i32
    %dma_wait3A_374 = arith.constant 0 : i32
    %dma_wait3A_375 = tpu.memref_slice %arg6[%dma_wait3A_372, %dma_wait3A_373, %dma_wait3A_374] : memref<4x128x16xf32, #tpu.memory_space<vmem>> -> memref<1x128x16xf32, #tpu.memory_space<vmem>>
    %dma_wait3A_376 = tpu.memref_squeeze %dma_wait3A_375 : memref<1x128x16xf32, #tpu.memory_space<vmem>> -> memref<128x16xf32, #tpu.memory_space<vmem>>
    %dma_wait3A_377 = arith.constant 0 : i32
    %dma_wait3A_378 = tpu.memref_slice %arg5[%dma_wait3A_371, %dma_wait3A_377] : memref<16x128xi32, #tpu.memory_space<vmem>> -> memref<1x128xi32, #tpu.memory_space<vmem>>
    %dma_wait3A_379 = tpu.memref_squeeze %dma_wait3A_378 : memref<1x128xi32, #tpu.memory_space<vmem>> -> memref<128xi32, #tpu.memory_space<vmem>>
    %dma_wait3A_380 = arith.constant 0 : i32
    %dma_wait3A_381 = arith.constant 0 : i32
    %dma_wait3A_382 = tpu.memref_slice %arg2[%dma_wait3A_380, %dma_wait3A_381] : memref<16384x16xf32, #tpu.memory_space<hbm>> -> memref<16384x16xf32, #tpu.memory_space<hbm>>
    tpu.wait_indirect_dma semaphore(%arg7 : memref<!tpu.dma_semaphore, #tpu.memory_space<semaphore_mem>>) src(%dma_wait3A_382 : memref<16384x16xf32, #tpu.memory_space<hbm>>) dst(%dma_wait3A_376 : memref<128x16xf32, #tpu.memory_space<vmem>>)
    "tpu.region"() ({
      %run_scoped3A = tpu.sem_alloc : memref<!tpu.dma_semaphore, #tpu.memory_space<semaphore_mem>>
      %dma_start3A_383 = arith.constant 12 : i32
      %dma_start3A_384 = arith.constant 0 : i32
      %dma_start3A_385 = arith.constant 0 : i32
      %dma_start3A_386 = tpu.memref_slice %arg4[%add3A, %dma_start3A_383, %dma_start3A_384, %dma_start3A_385] : memref<32x16x128x16xf32, #tpu.memory_space<hbm>> -> memref<1x4x128x16xf32, #tpu.memory_space<hbm>>
      %dma_start3A_387 = tpu.memref_squeeze %dma_start3A_386 : memref<1x4x128x16xf32, #tpu.memory_space<hbm>> -> memref<4x128x16xf32, #tpu.memory_space<hbm>>
      %dma_start3A_388 = arith.constant 12 : i32
      %dma_start3A_389 = arith.constant 0 : i32
      %dma_start3A_390 = arith.constant 0 : i32
      %dma_start3A_391 = tpu.memref_slice %arg4[%add3A, %dma_start3A_388, %dma_start3A_389, %dma_start3A_390] : memref<32x16x128x16xf32, #tpu.memory_space<hbm>> -> memref<1x4x128x16xf32, #tpu.memory_space<hbm>>
      %dma_start3A_392 = tpu.memref_squeeze %dma_start3A_391 : memref<1x4x128x16xf32, #tpu.memory_space<hbm>> -> memref<4x128x16xf32, #tpu.memory_space<hbm>>
      tpu.enqueue_dma source(%arg6 : memref<4x128x16xf32, #tpu.memory_space<vmem>>) target(%dma_start3A_392 : memref<4x128x16xf32, #tpu.memory_space<hbm>>) target_semaphore(%run_scoped3A : memref<!tpu.dma_semaphore, #tpu.memory_space<semaphore_mem>>)
      %dma_wait3A_393 = arith.constant 12 : i32
      %dma_wait3A_394 = arith.constant 0 : i32
      %dma_wait3A_395 = arith.constant 0 : i32
      %dma_wait3A_396 = tpu.memref_slice %arg4[%add3A, %dma_wait3A_393, %dma_wait3A_394, %dma_wait3A_395] : memref<32x16x128x16xf32, #tpu.memory_space<hbm>> -> memref<1x4x128x16xf32, #tpu.memory_space<hbm>>
      %dma_wait3A_397 = tpu.memref_squeeze %dma_wait3A_396 : memref<1x4x128x16xf32, #tpu.memory_space<hbm>> -> memref<4x128x16xf32, #tpu.memory_space<hbm>>
      %dma_wait3A_398 = arith.constant 12 : i32
      %dma_wait3A_399 = arith.constant 0 : i32
      %dma_wait3A_400 = arith.constant 0 : i32
      %dma_wait3A_401 = tpu.memref_slice %arg4[%add3A, %dma_wait3A_398, %dma_wait3A_399, %dma_wait3A_400] : memref<32x16x128x16xf32, #tpu.memory_space<hbm>> -> memref<1x4x128x16xf32, #tpu.memory_space<hbm>>
      %dma_wait3A_402 = tpu.memref_squeeze %dma_wait3A_401 : memref<1x4x128x16xf32, #tpu.memory_space<hbm>> -> memref<4x128x16xf32, #tpu.memory_space<hbm>>
      tpu.wait_dma2 semaphore(%run_scoped3A : memref<!tpu.dma_semaphore, #tpu.memory_space<semaphore_mem>>) src(%arg6 : memref<4x128x16xf32, #tpu.memory_space<vmem>>) dst(%dma_wait3A_402 : memref<4x128x16xf32, #tpu.memory_space<hbm>>)
      tpu.yield
    }) : () -> ()
    return
  }
}

module attributes {stable_mosaic.version = 14 : i64} {
  func.func @_ncc_topk_body(%arg0: i32, %arg1: i32, %arg2: memref<1x16x1024xf32, #tpu.memory_space<vmem>>, %arg3: memref<1x16x4096xf32, #tpu.memory_space<vmem>>, %arg4: memref<1x4x1024x1xi32, #tpu.memory_space<vmem>>) attributes {dimension_semantics = [#tpu.dimension_semantics<arbitrary>, #tpu.dimension_semantics<arbitrary>], iteration_bounds = array<i64: 4, 4>, scalar_prefetch = 0 : i64, scratch_operands = 0 : i64, tpu.core_type = #tpu.core_type<tc>, window_params = [{transform_indices = @transform_0, window_bounds = array<i64: 1, 16, 1024>}, {transform_indices = @transform_1, window_bounds = array<i64: 1, 16, 4096>}, {transform_indices = @transform_2, window_bounds = array<i64: 1, 4, 1024, 1>}]} {
    %get3A = arith.constant 0 : index
    %get3A_0 = arith.constant 0 : index
    %get3A_1 = arith.constant 0 : index
    %get3A_2 = vector.load %arg2[%get3A, %get3A_0, %get3A_1] : memref<1x16x1024xf32, #tpu.memory_space<vmem>>, vector<1x16x1024xf32>
    %get3A_3 = vector.shape_cast %get3A_2 : vector<1x16x1024xf32> to vector<16x1024xf32>
    %get3A_4 = arith.constant 0 : index
    %get3A_5 = arith.constant 0 : index
    %get3A_6 = arith.constant 0 : index
    %get3A_7 = vector.load %arg3[%get3A_4, %get3A_5, %get3A_6] : memref<1x16x4096xf32, #tpu.memory_space<vmem>>, vector<1x16x4096xf32>
    %get3A_8 = vector.shape_cast %get3A_7 : vector<1x16x4096xf32> to vector<16x4096xf32>
    %mul3A = arith.constant 4096 : i32
    %mul3A_9 = arith.muli %arg0, %mul3A : i32
    %dot_general3A = arith.constant dense<0.000000e+00> : vector<1024x4096xf32>
    %dot_general3A_10 = tpu.matmul %get3A_3, %get3A_8, %dot_general3A {dimension_numbers = #tpu.dot_dimension_numbers<[0], [0], [1], [1], [0, 1, 1, 1], [], []>, transpose_lhs_hint = false} : vector<16x1024xf32>, vector<16x4096xf32>, vector<1024x4096xf32> -> vector<1024x4096xf32>
    %iota3A = tpu.iota {dimensions = array<i32: 1>} : vector<1x4096xi32>
    %convert_element_type3A = arith.sitofp %iota3A : vector<1x4096xi32> to vector<1x4096xf32>
    %reduce_max3A = arith.constant dense<0xFF800000> : vector<1024xf32>
    %reduce_max3A_11 = vector.multi_reduction <maximumf>, %dot_general3A_10, %reduce_max3A [1] : vector<1024x4096xf32> to vector<1024xf32>
    %broadcast_in_dim3A = vector.shape_cast %reduce_max3A_11 : vector<1024xf32> to vector<1024x1xf32>
    %eq3A = vector.broadcast %broadcast_in_dim3A : vector<1024x1xf32> to vector<1024x4096xf32>
    %eq3A_12 = arith.cmpf oeq, %dot_general3A_10, %eq3A : vector<1024x4096xf32>
    %jit3A = arith.constant 4.096000e+03 : f32
    %broadcast_in_dim3A_13 = vector.shape_cast %convert_element_type3A : vector<1x4096xf32> to vector<1x4096xf32>
    %broadcast_in_dim3A_14 = vector.broadcast %broadcast_in_dim3A_13 : vector<1x4096xf32> to vector<1024x4096xf32>
    %broadcast_in_dim3A_15 = vector.broadcast %jit3A : f32 to vector<1024x4096xf32>
    %select_n3A = arith.select %eq3A_12, %broadcast_in_dim3A_14, %broadcast_in_dim3A_15 : vector<1024x4096xi1>, vector<1024x4096xf32>
    %reduce_min3A = arith.constant dense<0x7F800000> : vector<1024xf32>
    %reduce_min3A_16 = vector.multi_reduction <minimumf>, %select_n3A, %reduce_min3A [1] : vector<1024x4096xf32> to vector<1024xf32>
    %broadcast_in_dim3A_17 = vector.shape_cast %reduce_min3A_16 : vector<1024xf32> to vector<1024x1xf32>
    %convert_element_type3A_18 = arith.fptosi %broadcast_in_dim3A_17 : vector<1024x1xf32> to vector<1024x1xi32>
    %add3A = vector.broadcast %mul3A_9 : i32 to vector<1024x1xi32>
    %add3A_19 = arith.addi %convert_element_type3A_18, %add3A : vector<1024x1xi32>
    %swap3A = arith.constant 0 : index
    %swap3A_20 = arith.constant 0 : index
    %swap3A_21 = arith.constant 0 : index
    %swap3A_22 = arith.constant 0 : index
    %swap3A_23 = vector.load %arg4[%swap3A, %swap3A_20, %swap3A_21, %swap3A_22] : memref<1x4x1024x1xi32, #tpu.memory_space<vmem>>, vector<1x1x1024x1xi32>
    %swap3A_24 = vector.shape_cast %swap3A_23 : vector<1x1x1024x1xi32> to vector<1024x1xi32>
    %swap3A_25 = vector.shape_cast %add3A_19 : vector<1024x1xi32> to vector<1x1x1024x1xi32>
    tpu.vector_store %arg4[%swap3A, %swap3A_20, %swap3A_21, %swap3A_22], %swap3A_25 {strides = array<i32>} : memref<1x4x1024x1xi32, #tpu.memory_space<vmem>>, vector<1x1x1024x1xi32>,
    %eq3A_26 = vector.broadcast %convert_element_type3A : vector<1x4096xf32> to vector<1024x4096xf32>
    %eq3A_27 = vector.broadcast %broadcast_in_dim3A_17 : vector<1024x1xf32> to vector<1024x4096xf32>
    %eq3A_28 = arith.cmpf oeq, %eq3A_26, %eq3A_27 : vector<1024x4096xf32>
    %jit3A_29 = arith.constant -3.000000e+38 : f32
    %broadcast_in_dim3A_30 = vector.broadcast %jit3A_29 : f32 to vector<1024x4096xf32>
    %select_n3A_31 = arith.select %eq3A_28, %broadcast_in_dim3A_30, %dot_general3A_10 : vector<1024x4096xi1>, vector<1024x4096xf32>
    %reduce_max3A_32 = arith.constant dense<0xFF800000> : vector<1024xf32>
    %reduce_max3A_33 = vector.multi_reduction <maximumf>, %select_n3A_31, %reduce_max3A_32 [1] : vector<1024x4096xf32> to vector<1024xf32>
    %broadcast_in_dim3A_34 = vector.shape_cast %reduce_max3A_33 : vector<1024xf32> to vector<1024x1xf32>
    %eq3A_35 = vector.broadcast %broadcast_in_dim3A_34 : vector<1024x1xf32> to vector<1024x4096xf32>
    %eq3A_36 = arith.cmpf oeq, %select_n3A_31, %eq3A_35 : vector<1024x4096xf32>
    %jit3A_37 = arith.constant 4.096000e+03 : f32
    %broadcast_in_dim3A_38 = vector.shape_cast %convert_element_type3A : vector<1x4096xf32> to vector<1x4096xf32>
    %broadcast_in_dim3A_39 = vector.broadcast %broadcast_in_dim3A_38 : vector<1x4096xf32> to vector<1024x4096xf32>
    %broadcast_in_dim3A_40 = vector.broadcast %jit3A_37 : f32 to vector<1024x4096xf32>
    %select_n3A_41 = arith.select %eq3A_36, %broadcast_in_dim3A_39, %broadcast_in_dim3A_40 : vector<1024x4096xi1>, vector<1024x4096xf32>
    %reduce_min3A_42 = arith.constant dense<0x7F800000> : vector<1024xf32>
    %reduce_min3A_43 = vector.multi_reduction <minimumf>, %select_n3A_41, %reduce_min3A_42 [1] : vector<1024x4096xf32> to vector<1024xf32>
    %broadcast_in_dim3A_44 = vector.shape_cast %reduce_min3A_43 : vector<1024xf32> to vector<1024x1xf32>
    %convert_element_type3A_45 = arith.fptosi %broadcast_in_dim3A_44 : vector<1024x1xf32> to vector<1024x1xi32>
    %add3A_46 = vector.broadcast %mul3A_9 : i32 to vector<1024x1xi32>
    %add3A_47 = arith.addi %convert_element_type3A_45, %add3A_46 : vector<1024x1xi32>
    %swap3A_48 = arith.constant 0 : index
    %swap3A_49 = arith.constant 1 : index
    %swap3A_50 = arith.constant 0 : index
    %swap3A_51 = arith.constant 0 : index
    %swap3A_52 = vector.load %arg4[%swap3A_48, %swap3A_49, %swap3A_50, %swap3A_51] : memref<1x4x1024x1xi32, #tpu.memory_space<vmem>>, vector<1x1x1024x1xi32>
    %swap3A_53 = vector.shape_cast %swap3A_52 : vector<1x1x1024x1xi32> to vector<1024x1xi32>
    %swap3A_54 = vector.shape_cast %add3A_47 : vector<1024x1xi32> to vector<1x1x1024x1xi32>
    tpu.vector_store %arg4[%swap3A_48, %swap3A_49, %swap3A_50, %swap3A_51], %swap3A_54 {strides = array<i32>} : memref<1x4x1024x1xi32, #tpu.memory_space<vmem>>, vector<1x1x1024x1xi32>,
    %eq3A_55 = vector.broadcast %convert_element_type3A : vector<1x4096xf32> to vector<1024x4096xf32>
    %eq3A_56 = vector.broadcast %broadcast_in_dim3A_44 : vector<1024x1xf32> to vector<1024x4096xf32>
    %eq3A_57 = arith.cmpf oeq, %eq3A_55, %eq3A_56 : vector<1024x4096xf32>
    %jit3A_58 = arith.constant -3.000000e+38 : f32
    %broadcast_in_dim3A_59 = vector.broadcast %jit3A_58 : f32 to vector<1024x4096xf32>
    %select_n3A_60 = arith.select %eq3A_57, %broadcast_in_dim3A_59, %select_n3A_31 : vector<1024x4096xi1>, vector<1024x4096xf32>
    %reduce_max3A_61 = arith.constant dense<0xFF800000> : vector<1024xf32>
    %reduce_max3A_62 = vector.multi_reduction <maximumf>, %select_n3A_60, %reduce_max3A_61 [1] : vector<1024x4096xf32> to vector<1024xf32>
    %broadcast_in_dim3A_63 = vector.shape_cast %reduce_max3A_62 : vector<1024xf32> to vector<1024x1xf32>
    %eq3A_64 = vector.broadcast %broadcast_in_dim3A_63 : vector<1024x1xf32> to vector<1024x4096xf32>
    %eq3A_65 = arith.cmpf oeq, %select_n3A_60, %eq3A_64 : vector<1024x4096xf32>
    %jit3A_66 = arith.constant 4.096000e+03 : f32
    %broadcast_in_dim3A_67 = vector.shape_cast %convert_element_type3A : vector<1x4096xf32> to vector<1x4096xf32>
    %broadcast_in_dim3A_68 = vector.broadcast %broadcast_in_dim3A_67 : vector<1x4096xf32> to vector<1024x4096xf32>
    %broadcast_in_dim3A_69 = vector.broadcast %jit3A_66 : f32 to vector<1024x4096xf32>
    %select_n3A_70 = arith.select %eq3A_65, %broadcast_in_dim3A_68, %broadcast_in_dim3A_69 : vector<1024x4096xi1>, vector<1024x4096xf32>
    %reduce_min3A_71 = arith.constant dense<0x7F800000> : vector<1024xf32>
    %reduce_min3A_72 = vector.multi_reduction <minimumf>, %select_n3A_70, %reduce_min3A_71 [1] : vector<1024x4096xf32> to vector<1024xf32>
    %broadcast_in_dim3A_73 = vector.shape_cast %reduce_min3A_72 : vector<1024xf32> to vector<1024x1xf32>
    %convert_element_type3A_74 = arith.fptosi %broadcast_in_dim3A_73 : vector<1024x1xf32> to vector<1024x1xi32>
    %add3A_75 = vector.broadcast %mul3A_9 : i32 to vector<1024x1xi32>
    %add3A_76 = arith.addi %convert_element_type3A_74, %add3A_75 : vector<1024x1xi32>
    %swap3A_77 = arith.constant 0 : index
    %swap3A_78 = arith.constant 2 : index
    %swap3A_79 = arith.constant 0 : index
    %swap3A_80 = arith.constant 0 : index
    %swap3A_81 = vector.load %arg4[%swap3A_77, %swap3A_78, %swap3A_79, %swap3A_80] : memref<1x4x1024x1xi32, #tpu.memory_space<vmem>>, vector<1x1x1024x1xi32>
    %swap3A_82 = vector.shape_cast %swap3A_81 : vector<1x1x1024x1xi32> to vector<1024x1xi32>
    %swap3A_83 = vector.shape_cast %add3A_76 : vector<1024x1xi32> to vector<1x1x1024x1xi32>
    tpu.vector_store %arg4[%swap3A_77, %swap3A_78, %swap3A_79, %swap3A_80], %swap3A_83 {strides = array<i32>} : memref<1x4x1024x1xi32, #tpu.memory_space<vmem>>, vector<1x1x1024x1xi32>,
    %eq3A_84 = vector.broadcast %convert_element_type3A : vector<1x4096xf32> to vector<1024x4096xf32>
    %eq3A_85 = vector.broadcast %broadcast_in_dim3A_73 : vector<1024x1xf32> to vector<1024x4096xf32>
    %eq3A_86 = arith.cmpf oeq, %eq3A_84, %eq3A_85 : vector<1024x4096xf32>
    %jit3A_87 = arith.constant -3.000000e+38 : f32
    %broadcast_in_dim3A_88 = vector.broadcast %jit3A_87 : f32 to vector<1024x4096xf32>
    %select_n3A_89 = arith.select %eq3A_86, %broadcast_in_dim3A_88, %select_n3A_60 : vector<1024x4096xi1>, vector<1024x4096xf32>
    %reduce_max3A_90 = arith.constant dense<0xFF800000> : vector<1024xf32>
    %reduce_max3A_91 = vector.multi_reduction <maximumf>, %select_n3A_89, %reduce_max3A_90 [1] : vector<1024x4096xf32> to vector<1024xf32>
    %broadcast_in_dim3A_92 = vector.shape_cast %reduce_max3A_91 : vector<1024xf32> to vector<1024x1xf32>
    %eq3A_93 = vector.broadcast %broadcast_in_dim3A_92 : vector<1024x1xf32> to vector<1024x4096xf32>
    %eq3A_94 = arith.cmpf oeq, %select_n3A_89, %eq3A_93 : vector<1024x4096xf32>
    %jit3A_95 = arith.constant 4.096000e+03 : f32
    %broadcast_in_dim3A_96 = vector.shape_cast %convert_element_type3A : vector<1x4096xf32> to vector<1x4096xf32>
    %broadcast_in_dim3A_97 = vector.broadcast %broadcast_in_dim3A_96 : vector<1x4096xf32> to vector<1024x4096xf32>
    %broadcast_in_dim3A_98 = vector.broadcast %jit3A_95 : f32 to vector<1024x4096xf32>
    %select_n3A_99 = arith.select %eq3A_94, %broadcast_in_dim3A_97, %broadcast_in_dim3A_98 : vector<1024x4096xi1>, vector<1024x4096xf32>
    %reduce_min3A_100 = arith.constant dense<0x7F800000> : vector<1024xf32>
    %reduce_min3A_101 = vector.multi_reduction <minimumf>, %select_n3A_99, %reduce_min3A_100 [1] : vector<1024x4096xf32> to vector<1024xf32>
    %broadcast_in_dim3A_102 = vector.shape_cast %reduce_min3A_101 : vector<1024xf32> to vector<1024x1xf32>
    %convert_element_type3A_103 = arith.fptosi %broadcast_in_dim3A_102 : vector<1024x1xf32> to vector<1024x1xi32>
    %add3A_104 = vector.broadcast %mul3A_9 : i32 to vector<1024x1xi32>
    %add3A_105 = arith.addi %convert_element_type3A_103, %add3A_104 : vector<1024x1xi32>
    %swap3A_106 = arith.constant 0 : index
    %swap3A_107 = arith.constant 3 : index
    %swap3A_108 = arith.constant 0 : index
    %swap3A_109 = arith.constant 0 : index
    %swap3A_110 = vector.load %arg4[%swap3A_106, %swap3A_107, %swap3A_108, %swap3A_109] : memref<1x4x1024x1xi32, #tpu.memory_space<vmem>>, vector<1x1x1024x1xi32>
    %swap3A_111 = vector.shape_cast %swap3A_110 : vector<1x1x1024x1xi32> to vector<1024x1xi32>
    %swap3A_112 = vector.shape_cast %add3A_105 : vector<1024x1xi32> to vector<1x1x1024x1xi32>
    tpu.vector_store %arg4[%swap3A_106, %swap3A_107, %swap3A_108, %swap3A_109], %swap3A_112 {strides = array<i32>} : memref<1x4x1024x1xi32, #tpu.memory_space<vmem>>, vector<1x1x1024x1xi32>,
    return
  }
  func.func @transform_0(%arg0: i32, %arg1: i32) -> (i32, i32, i32) {
    %c0_i32 = arith.constant 0 : i32
    %c0_i32_0 = arith.constant 0 : i32
    return %arg0, %c0_i32, %arg1 : i32, i32, i32
  }
  func.func @transform_1(%arg0: i32, %arg1: i32) -> (i32, i32, i32) {
    %c0_i32 = arith.constant 0 : i32
    %c0_i32_0 = arith.constant 0 : i32
    %c0_i32_1 = arith.constant 0 : i32
    return %arg0, %c0_i32, %c0_i32_0 : i32, i32, i32
  }
  func.func @transform_2(%arg0: i32, %arg1: i32) -> (i32, i32, i32, i32) {
    %c0_i32 = arith.constant 0 : i32
    %c0_i32_0 = arith.constant 0 : i32
    %c0_i32_1 = arith.constant 0 : i32
    return %arg0, %c0_i32, %arg1, %c0_i32_0 : i32, i32, i32, i32
  }
}

module attributes {stable_mosaic.version = 14 : i64} {
  func.func @_fold_body(%arg0: i32, %arg1: memref<1x4096x16xf32, #tpu.memory_space<vmem>>, %arg2: memref<16x16xf32, #tpu.memory_space<vmem>>, %arg3: memref<1x4096x4xf32, #tpu.memory_space<vmem>>) attributes {dimension_semantics = [#tpu.dimension_semantics<arbitrary>], iteration_bounds = array<i64: 16>, scalar_prefetch = 0 : i64, scratch_operands = 0 : i64, tpu.core_type = #tpu.core_type<tc>, window_params = [{transform_indices = @transform_0, window_bounds = array<i64: 1, 4096, 16>}, {pipeline_mode = #tpu.pipeline_mode<synchronous>, transform_indices = @transform_1, window_bounds = array<i64: 16, 16>}, {transform_indices = @transform_2, window_bounds = array<i64: 1, 4096, 4>}]} {
    %get3A = arith.constant 0 : index
    %get3A_0 = arith.constant 0 : index
    %get3A_1 = arith.constant 0 : index
    %get3A_2 = vector.load %arg1[%get3A, %get3A_0, %get3A_1] : memref<1x4096x16xf32, #tpu.memory_space<vmem>>, vector<1x4096x16xf32>
    %get3A_3 = vector.shape_cast %get3A_2 : vector<1x4096x16xf32> to vector<4096x16xf32>
    %get3A_4 = arith.constant 0 : index
    %get3A_5 = arith.constant 0 : index
    %get3A_6 = vector.load %arg2[%get3A_4, %get3A_5] : memref<16x16xf32, #tpu.memory_space<vmem>>, vector<16x16xf32>
    %dot_general3A = arith.constant dense<0.000000e+00> : vector<4096x16xf32>
    %dot_general3A_7 = tpu.matmul %get3A_3, %get3A_6, %dot_general3A {dimension_numbers = #tpu.dot_dimension_numbers<[1], [0], [0], [1], [0, 0, 1, 1], [], []>, precision = #tpu.contract_precision<fp32>, transpose_lhs_hint = false} : vector<4096x16xf32>, vector<16x16xf32>, vector<4096x16xf32> -> vector<4096x16xf32>
    %slice3A = vector.extract_strided_slice %dot_general3A_7 {offsets = [0, 0], sizes = [4096, 4], strides = [1, 1]} : vector<4096x16xf32> to vector<4096x4xf32>
    %broadcast_in_dim3A = arith.constant 0.000000e+00 : f32
    %broadcast_in_dim3A_8 = vector.broadcast %broadcast_in_dim3A : f32 to vector<1x4xf32>
    %slice3A_9 = vector.extract_strided_slice %dot_general3A_7 {offsets = [0, 4], sizes = [4095, 4], strides = [1, 1]} : vector<4096x16xf32> to vector<4095x4xf32>
    %concatenate3A = tpu.concatenate %broadcast_in_dim3A_8, %slice3A_9 in 0 : vector<1x4xf32>, vector<4095x4xf32> -> vector<4096x4xf32>
    %add3A = arith.addf %slice3A, %concatenate3A : vector<4096x4xf32>
    %broadcast_in_dim3A_10 = arith.constant 0.000000e+00 : f32
    %broadcast_in_dim3A_11 = vector.broadcast %broadcast_in_dim3A_10 : f32 to vector<64x4xf32>
    %slice3A_12 = vector.extract_strided_slice %dot_general3A_7 {offsets = [0, 8], sizes = [4032, 4], strides = [1, 1]} : vector<4096x16xf32> to vector<4032x4xf32>
    %concatenate3A_13 = tpu.concatenate %broadcast_in_dim3A_11, %slice3A_12 in 0 : vector<64x4xf32>, vector<4032x4xf32> -> vector<4096x4xf32>
    %add3A_14 = arith.addf %add3A, %concatenate3A_13 : vector<4096x4xf32>
    %broadcast_in_dim3A_15 = arith.constant 0.000000e+00 : f32
    %broadcast_in_dim3A_16 = vector.broadcast %broadcast_in_dim3A_15 : f32 to vector<65x4xf32>
    %slice3A_17 = vector.extract_strided_slice %dot_general3A_7 {offsets = [0, 12], sizes = [4031, 4], strides = [1, 1]} : vector<4096x16xf32> to vector<4031x4xf32>
    %concatenate3A_18 = tpu.concatenate %broadcast_in_dim3A_16, %slice3A_17 in 0 : vector<65x4xf32>, vector<4031x4xf32> -> vector<4096x4xf32>
    %add3A_19 = arith.addf %add3A_14, %concatenate3A_18 : vector<4096x4xf32>
    %swap3A = arith.constant 0 : index
    %swap3A_20 = arith.constant 0 : index
    %swap3A_21 = arith.constant 0 : index
    %swap3A_22 = vector.load %arg3[%swap3A, %swap3A_20, %swap3A_21] : memref<1x4096x4xf32, #tpu.memory_space<vmem>>, vector<1x4096x4xf32>
    %swap3A_23 = vector.shape_cast %swap3A_22 : vector<1x4096x4xf32> to vector<4096x4xf32>
    %swap3A_24 = vector.shape_cast %add3A_19 : vector<4096x4xf32> to vector<1x4096x4xf32>
    tpu.vector_store %arg3[%swap3A, %swap3A_20, %swap3A_21], %swap3A_24 {strides = array<i32>} : memref<1x4096x4xf32, #tpu.memory_space<vmem>>, vector<1x4096x4xf32>,
    return
  }
  func.func @transform_0(%arg0: i32) -> (i32, i32, i32) {
    %c0_i32 = arith.constant 0 : i32
    %c0_i32_0 = arith.constant 0 : i32
    %c0_i32_1 = arith.constant 0 : i32
    return %arg0, %c0_i32, %c0_i32_0 : i32, i32, i32
  }
  func.func @transform_1(%arg0: i32) -> (i32, i32) {
    %c0_i32 = arith.constant 0 : i32
    %c0_i32_0 = arith.constant 0 : i32
    %c0_i32_1 = arith.constant 0 : i32
    return %c0_i32, %c0_i32_0 : i32, i32
  }
  func.func @transform_2(%arg0: i32) -> (i32, i32, i32) {
    %c0_i32 = arith.constant 0 : i32
    %c0_i32_0 = arith.constant 0 : i32
    %c0_i32_1 = arith.constant 0 : i32
    return %arg0, %c0_i32, %c0_i32_0 : i32, i32, i32
  }
}

</mosaic_0001>

<sc_bundles>
// kernel: kernel.5.cloned.1.call-start
scs
__scs_entry_jumppad:
0x0: {  	(pc) =	sbr.rel $0x88, $3  }
0x1: {  	(tag) =	ssettag $0x0;
	lr =	simm.s32 $0x1  }
0x2: {  	[smem:$0x3F9F] =	sst lr;
	_ =	strace $0xD0000000  }
0x3: {  	_ = 	snop  }
0x4: {  	_ = 	snop  }
0x5: {  	_ = 	snop  }
0x6: {  	_ = 	snop  }
0x7: {  	_ = 	snop  }
__scs_overlays_trampoline_lowered:
0x8: {  	[smem:$0x3FAE] =	sst s0  }
0x9: {  	[smem:$0x3FAF] =	sst s1  }
0xa: {  	[smem:$0x3FB0] =	sst s2  }
0xb: {  	[smem:$0x3FB1] =	sst s3  }
0xc: {  	[smem:$0x3FB2] =	sst s4  }
0xd: {  	[smem:$0x3FB3] =	sst s5  }
0xe: {  	[smem:$0x3FB4] =	sst s6  }
0xf: {  	[smem:$0x3FB5] =	sst s7  }
0x10: {  	[smem:$0x3FB6] =	sst s8  }
0x11: {  	[smem:$0x3FB7] =	sst s9;
	s0 =	simm.s32 @!p0 $0x0  }
0x12: {  	s1 =	sld [smem:$0x3F9D];
	s0 =	simm.s32 @p0 $0x1  }
0x13: {  	[smem:$0x3FB8] =	sst s0;
	s0 =	simm.s32 @!p1 $0x0  }
0x14: {  	s2 =	sld [smem:$0x3F9C];
	s0 =	simm.s32 @p1 $0x1  }
0x15: {  	[smem:$0x3FB9] =	sst s0;
	s0 =	simm.s32 @!p2 $0x0  }
0x16: {  	s3 =	sld [smem:$0x3FDB];
	s0 =	simm.s32 @p2 $0x1  }
0x17: {  	s4 =	simm.s32 $0x1BF5;
	[smem:$0x3FBB] =	sst s0  }
0x18: {  	s0 =	sld [smem:$0x3F9E];
	_ =	swait.ge [sflag:s4], $0x0  }
0x19: {  	s7 =	sld [smem:$0x3F9F]  }
0x1a: {  	s8 =	sadd.s32 $0xFFFFE003, lr  }
0x1b: {  	s9 =	sadd.s32 $0xFFFFFEF7, lr;
	s5 =	simm.s32 $0xFFFFFFFF;
	p2 =	slt.u32 s8, $0xFFFFF086  }
0x1c: {  	p1 =	slt.u32 s9, $0xF7A;
	s5 =	simm.s32 @!p2 $0x0  }
0x1d: {  	s5 =	simm.s32 @p1 $0x1;
	p0 =	seq.s32 s7, s2  }
0x1e: {  	s7 =	smul.u32 @!p0 $0xF7A, s2;
	p2 =	seq.s32 @!p0 s5, $0x0  }
0x1f: {  	s9 =	smul.u32 $0xF7A, s1;
	s8 =	simm.s32 @!p0 $0x1BF5;
	p2 =	por !p2, p0  }
0x20: {  	[sflag:s8] =	ssyncset.s32 @!p0 $0xFFFFF086;
	s6 =	sadd.s32 @!p0 s3, s7;
	s7 =	simm.s32 @!p0 $0x108  }
0x21: {  	s3 =	sadd.s32 s3, s9;
	s6 =	sadd.s32 @!p0 $0x88, s6;
	s7 =	simm.s32 @p2 $0x1082  }
0x22: {  	[simem:s7], [sflag:s8] =	dma.local @!p0 [hbm:s6], $0xF7A  }
0x23: {  	s9 =	sor.u32 $0xD0000000, s2;
	s6 =	simm.s32 $0x108;
	_ =	swait.ge @!p0 [sflag:s8], $0x0  }
0x24: {  	s3 =	sadd.s32 $0x88, s3;
	s6 =	simm.s32 @!p1 $0x1082;
	[sflag:s4] =	ssyncset.s32 $0xFFFFF086  }
0x25: {  	[simem:s6], [sflag:s4] =	dma.local [hbm:s3], $0xF7A  }
0x26: {  	[smem:$0x3F9F] =	sst s1;
	(tag) =	ssettag s2;
	_ =	strace s9  }
0x27: {  	s1 =	sld [smem:$0x3FAF]  }
0x28: {  	s2 =	sld [smem:$0x3FB0]  }
0x29: {  	s4 =	sld [smem:$0x3FB2]  }
0x2a: {  	p0 =	seq.s32 s5, $0x0;
	s5 =	sld [smem:$0x3FB3]  }
0x2b: {  	s6 =	sld [smem:$0x3FB4]  }
0x2c: {  	s7 =	sld [smem:$0x3FB5]  }
0x2d: {  	s3 =	simm.s32 $0x108;
	s8 =	sld [smem:$0x3FB6]  }
0x2e: {  	s3 =	simm.s32 @!p0 $0x1082;
	s9 =	sld [smem:$0x3FB7]  }
0x2f: {  	lr =	sadd.s32 s0, s3;
	s0 =	sld [smem:$0x3FAE]  }
0x30: {  	s3 =	sld [smem:$0x3FB1]  }
0x31: {  	[smem:$0x3FBA] =	sst s10  }
0x32: {  	s10 =	sld [smem:$0x3FB8];
	_ =	sdelay $0x3  }
0x33: {  	p0 =	seq.s32 s10, $0x1;
	s10 =	sld [smem:$0x3FBA];
	_ =	sdelay $0x3  }
0x34: {  	[smem:$0x3FBA] =	sst s10  }
0x35: {  	s10 =	sld [smem:$0x3FB9];
	_ =	sdelay $0x3  }
0x36: {  	p1 =	seq.s32 s10, $0x1;
	s10 =	sld [smem:$0x3FBA];
	_ =	sdelay $0x3  }
0x37: {  	[smem:$0x3FBA] =	sst s10  }
0x38: {  	s10 =	sld [smem:$0x3FBB]  }
0x39: {  	_ = 	snop;
	(pc) =	sbr.ind lr, $3  }
0x3a: {  	_ = 	snop  }
0x3b: {  	_ = 	snop  }
0x3c: {  	p2 =	seq.s32 s10, $0x1;
	s10 =	sld [smem:$0x3FBA]  }
0x3d: {  	_ =	shalt  }
0x3e: {  	_ =	shalt  }
0x3f: {  	_ =	shalt  }
0x40: {  	_ =	shalt  }
0x41: {  	_ =	shalt  }
0x42: {  	_ =	shalt  }
0x43: {  	_ =	shalt  }
0x44: {  	_ =	shalt  }
0x45: {  	_ =	shalt  }
0x46: {  	_ =	shalt  }
0x47: {  	_ =	shalt  }
0x48: {  	_ =	shalt  }
0x49: {  	_ =	shalt  }
0x4a: {  	_ =	shalt  }
0x4b: {  	_ =	shalt  }
0x4c: {  	_ =	shalt  }
0x4d: {  	_ =	shalt  }
0x4e: {  	_ =	shalt  }
0x4f: {  	_ =	shalt  }
0x50: {  	_ =	shalt  }
0x51: {  	_ =	shalt  }
0x52: {  	_ =	shalt  }
0x53: {  	_ =	shalt  }
0x54: {  	_ =	shalt  }
0x55: {  	_ =	shalt  }
0x56: {  	_ =	shalt  }
0x57: {  	_ =	shalt  }
0x58: {  	_ =	shalt  }
0x59: {  	_ =	shalt  }
0x5a: {  	_ =	shalt  }
0x5b: {  	_ =	shalt  }
0x5c: {  	_ =	shalt  }
0x5d: {  	_ =	shalt  }
0x5e: {  	_ =	shalt  }
0x5f: {  	_ =	shalt  }
0x60: {  	_ =	shalt  }
0x61: {  	_ =	shalt  }
0x62: {  	_ =	shalt  }
0x63: {  	_ =	shalt  }
0x64: {  	_ =	shalt  }
0x65: {  	_ =	shalt  }
0x66: {  	_ =	shalt  }
0x67: {  	_ =	shalt  }
0x68: {  	_ =	shalt  }
0x69: {  	_ =	shalt  }
0x6a: {  	_ =	shalt  }
0x6b: {  	_ =	shalt  }
0x6c: {  	_ =	shalt  }
0x6d: {  	_ =	shalt  }
0x6e: {  	_ =	shalt  }
0x6f: {  	_ =	shalt  }
0x70: {  	_ =	shalt  }
0x71: {  	_ =	shalt  }
0x72: {  	_ =	shalt  }
0x73: {  	_ =	shalt  }
0x74: {  	_ =	shalt  }
0x75: {  	_ =	shalt  }
0x76: {  	_ =	shalt  }
0x77: {  	_ =	shalt  }
0x78: {  	_ =	shalt  }
0x79: {  	_ =	shalt  }
0x7a: {  	_ =	shalt  }
0x7b: {  	_ =	shalt  }
0x7c: {  	_ =	shalt  }
0x7d: {  	_ =	shalt  }
0x7e: {  	_ =	shalt  }
0x7f: {  	_ =	shalt  }
0x80: {  	_ =	shalt  }
0x81: {  	_ =	shalt  }
0x82: {  	_ =	shalt  }
0x83: {  	_ =	shalt  }
0x84: {  	_ =	shalt  }
0x85: {  	_ =	shalt  }
0x86: {  	_ =	shalt  }
0x87: {  	_ =	shalt  }
.Lfunc_end0:
.L_simem_size_0:
called_computation_lowered:
.L_overlay_start_0:
0x88: {  	s2 =	sld [smem:$0x3FD9]  }
0x89: {  	s3 =	sld [smem:$0x3FFE];
	_ =	sdelay $0x1  }
0x8a: {  	s1 =	srdreg.scid  }
0x8b: {  	s0 =	sand.u32 $0x1, s1  }
0x8c: {  	s17 =	sshll.u32 s0, $0xA;
	s2 =	sadd.s32 s3, s2  }
0x8d: {  	s2 =	sadd.s32 s2, s17  }
0x8e: {  	[smem:$0x3FC6] =	sst s2  }
0x8f: {  	_ = 	snop  }
0x90: {  	s2 =	sld [smem:$0x3FD0];
	(tm) =	ssettm $0x1  }
0x91: {  	s18 =	sld [smem:$0x3FFB];
	_ =	sdelay $0x3  }
0x92: {  	_ =	strace s18  }
0x93: {  	s3 =	sld [smem:$0x3FFC];
	_ =	sdelay $0x3  }
0x94: {  	_ =	strace s3  }
0x95: {  	s3 =	sld [smem:$0x3FFD];
	_ =	sdelay $0x3  }
0x96: {  	_ =	strace s3  }
0x97: {  	_ =	strace $0x8FFFFFFF  }
0x98: {  	s19 =	sld [smem:$0x3FDB];
	_ =	sdelay $0x1  }
0x99: {  	s4 =	simm.s32 $_scs_section_size  }
0x9a: {  	s5 =	simm.s32 $_size__tile_overlayer_lowered;
	s6 =	simm.s32 $_tile_overlayer_lowered  }
0x9b: {  	s22 =	simm.s32 $0x1BFF;
	s21 =	sshll.u32 s6, $0x1;
	s3 =	sadd.s32 s4, s19  }
0x9c: {  	s7 =	simm.s32 $0x0;
	s20 =	sshll.u32 s5, $0x1;
	s5 =	sadd.s32 s21, s3  }
0x9d: {  	[timem:s7], [sflag:s22] =	dma.local [hbm:s5], s20  }
0x9e: {  	_ =	swait.ge [sflag:s22], s20  }
0x9f: {  	s4 =	ssub.s32 $0x0, s20;
	[sflag:s22] =	ssyncset.done $0x0  }
0xa0: {  	[sflag:s22] =	ssyncadd.s32 s4;
	_ =	sdelay $0x1  }
0xa1: {  	s23 =	simm.s32 $0x1B8B  }
0xa2: {  	_ =	swait.ge [sflag:s23], $0x1  }
0xa3: {  	[sflag:s23] =	ssyncset.done $0x0  }
0xa4: {  	s25 =	simm.s32 $0x1B8E;
	s24 =	sld [smem:$0x3FFE];
	[sflag:s23] =	ssyncadd.s32 $0xFFFFFFFF  }
0xa5: {  	s26 =	simm.s32 $execute0_lowered;
	[smem:$0x3FD2] =	sst s25  }
0xa6: {  	s5 =	sshll.u32 s26, $0x1;
	_ =	strace $0x80000046;
	[dreg:$0x1] =	wrdreg $0xFFFFFFFF  }
0xa7: {  	s28 =	simm.s32 $_size_execute0_lowered;
	s3 =	sadd.s32 s3, s5;
	[dreg:$0x0] =	wrdreg $0x0  }
0xa8: {  	s5 =	sshll.u32 s28, $0x1;
	[dreg:$0x2] =	wrdreg s3  }
0xa9: {  	[dreg:$0x3] =	wrdreg s5  }
0xaa: {  	[dreg:$0x4] =	wrdreg $0xC0  }
0xab: {  	_ =	task [dreg:s7], $0x5FFFF  }
0xac: {  	[dreg:$0x1] =	wrdreg $0xFFFFFFFF  }
0xad: {  	[dreg:$0x0] =	wrdreg $0x60  }
0xae: {  	[dreg:$0x2] =	wrdreg s2  }
0xaf: {  	[dreg:$0x3] =	wrdreg s24  }
0xb0: {  	[dreg:$0x4] =	wrdreg $0x9  }
0xb1: {  	_ =	task.clear_ibuf [dreg:s7], $0x5FFFF;
	_ =	strace $0x90000046  }
0xb2: {  	s29 =	simm.s32 $0x9;
	_ =	strace $0x80000048  }
0xb3: {  	_ =	swait.ge [sflag:s29], $0x1  }
0xb4: {  	[sflag:s29] =	ssyncadd.s32 $0xFFFFFFFF  }
0xb5: {  	_ =	strace $0x90000048  }
0xb6: {  	_ =	sfence  }
0xb7: {  	s30 =	sld [smem:$0x0];
	_ =	sdelay $0x2  }
0xb8: {  	s31 =	sshll.u32 s1, $0xD;
	s1 =	sshrl.u32 s1, $0x2  }
0xb9: {  	s3 =	sand.u32 $0x4000, s31;
	s1 =	sadd.s32 s1, s30  }
0xba: {  	s0 =	sor.u32 s3, s0;
	s1 =	sshll.u32 s1, $0x11  }
0xbb: {  	s0 =	sor.u32 s1, s0  }
0xbc: {  	s0 =	sadd.s32 $0x8F2B, s0  }
0xbd: {  	[sflag:s0] =	ssyncadd.remote.s32 $0x1  }
0xbe: {  	_ =	sfence.sel $0xFFFF  }
0xbf: {  	[dreg:$0x0] =	wrdreg $0xFFFFFFFF;
	(pc) =	sbr.abs _section_cstart, $3  }
0xc0: {  	[dreg:$0x1] =	wrdreg $0xFFFFFFFF  }
0xc1: {  	_ =	task.clear_ibuf [dreg:s7], $0x2FFFF;
	_ =	strace $0x9FFFFFFF  }
0xc2: {  	(tm) =	ssettm $0x7FFFFFFF  }
0xc3: {  	_ =	shalt  }
tec
execute0_lowered:
.L_overlay_start_1:
0x0: {  	(tag) =	ssettag $0x1  }
0x1: {  	s1 =	srdreg.scid;
	s0 =	stileid.u32  }
0x2: {  	s2 =	rddreg [dreg:$0x0];
	s30 =	sand.u32 $0x1, s1;
	s4 =	sshll.u32 s0, $0x1  }
0x3: {  	s14 =	rddreg [dreg:$0x1];
	s3 =	simm.s32 $0x0;
	s15 =	sor.u32 s30, s4  }
0x4: {  	[smem:$0x7FF] =	sst s3;
	s4 =	sshll.u32 s15, $0x8  }
0x5: {  	_ =	strace $0x80000047;
	s5 =	sadd.s32 s14, s4;
	s4 =	simm.s32 $0x2  }
0x6: {  	[tilespmem:s3], [sflag:$0x2] =	stream.linear.gather [hbm4b:s5+s3], $0x800, $0x38;
	[tilespmem:$0x2800] =	vst v63  }
0x7: {  	_ =	swait.ge [sflag:s4], $0x800  }
0x8: {  	[sflag:s4] =	ssyncset.done $0x0  }
0x9: {  	s6 =	simm.s32 $0x80;
	s7 =	simm.s32 $0x800;
	[sflag:s4] =	ssyncadd.s32 $0xFFFFF800  }
0xa: {  	[tilespmem:s7], [sflag:$0x1] =	stream.indirect.gather [hbm4b:s2+s6], $0x10, s3, s6, $0xb8;
	[tilespmem:$0x2800] =	vst v63  }
0xb: {  	s8 =	simm.s32 $0x1000  }
0xc: {  	[tilespmem:s8], [sflag:$0x1] =	stream.indirect.gather [hbm4b:s2+s6], $0x10, s6, s6, $0xb8;
	[tilespmem:$0x2800] =	vst v63  }
0xd: {  	s9 =	simm.s32 $0x100;
	s10 =	simm.s32 $0x1800  }
0xe: {  	[tilespmem:s10], [sflag:$0x1] =	stream.indirect.gather [hbm4b:s2+s6], $0x10, s9, s6, $0xb8;
	[tilespmem:$0x2800] =	vst v63  }
0xf: {  	s11 =	simm.s32 $0x180;
	s12 =	simm.s32 $0x2000;
	s13 =	simm.s32 $0x1  }
0x10: {  	[tilespmem:s12], [sflag:$0x1] =	stream.indirect.gather [hbm4b:s2+s6], $0x10, s11, s6, $0xb8;
	[tilespmem:$0x2800] =	vst v63  }
0x11: {  	_ =	swait.ge [sflag:s13], $0x800  }
0x12: {  	[sflag:s13] =	ssyncset.done $0x0  }
0x13: {  	[sflag:s13] =	ssyncadd.s32 $0xFFFFF800  }
0x14: {  	_ =	swait.ge [sflag:s13], $0x800  }
0x15: {  	[sflag:s13] =	ssyncset.done $0x0  }
0x16: {  	[sflag:s13] =	ssyncadd.s32 $0xFFFFF800  }
0x17: {  	_ =	swait.ge [sflag:s13], $0x800  }
0x18: {  	[sflag:s13] =	ssyncset.done $0x0  }
0x19: {  	[sflag:s13] =	ssyncadd.s32 $0xFFFFF800  }
0x1a: {  	s15 =	sshll.u32 s15, $0xC;
	_ =	swait.ge [sflag:s13], $0x800  }
0x1b: {  	s31 =	sadd.s32 s15, s14;
	[sflag:s13] =	ssyncset.done $0x0  }
0x1c: {  	s14 =	sadd.s32 $0x2000, s31;
	[sflag:s13] =	ssyncadd.s32 $0xFFFFF800  }
0x1d: {  	[hbm4b:s14+s3] =	stream.linear.scatter [tilespmem:s7], [sflag:$0x2], $0x2000, $0x38;
	[tilespmem:$0x2800] =	vst v63  }
0x1e: {  	_ =	swait.ge [sflag:s4], $0x2000  }
0x1f: {  	[sflag:s4] =	ssyncset.done $0x0  }
0x20: {  	s15 =	simm.s32 $0x200;
	[sflag:s4] =	ssyncadd.s32 $0xFFFFE000  }
0x21: {  	[tilespmem:s7], [sflag:$0x1] =	stream.indirect.gather [hbm4b:s2+s6], $0x10, s15, s6, $0xb8;
	[tilespmem:$0x2800] =	vst v63  }
0x22: {  	s16 =	simm.s32 $0x280  }
0x23: {  	[tilespmem:s8], [sflag:$0x1] =	stream.indirect.gather [hbm4b:s2+s6], $0x10, s16, s6, $0xb8;
	[tilespmem:$0x2800] =	vst v63  }
0x24: {  	s17 =	simm.s32 $0x300  }
0x25: {  	[tilespmem:s10], [sflag:$0x1] =	stream.indirect.gather [hbm4b:s2+s6], $0x10, s17, s6, $0xb8;
	[tilespmem:$0x2800] =	vst v63  }
0x26: {  	s18 =	simm.s32 $0x380  }
0x27: {  	[tilespmem:s12], [sflag:$0x1] =	stream.indirect.gather [hbm4b:s2+s6], $0x10, s18, s6, $0xb8;
	[tilespmem:$0x2800] =	vst v63  }
0x28: {  	_ =	swait.ge [sflag:s13], $0x800  }
0x29: {  	[sflag:s13] =	ssyncset.done $0x0  }
0x2a: {  	[sflag:s13] =	ssyncadd.s32 $0xFFFFF800  }
0x2b: {  	_ =	swait.ge [sflag:s13], $0x800  }
0x2c: {  	[sflag:s13] =	ssyncset.done $0x0  }
0x2d: {  	[sflag:s13] =	ssyncadd.s32 $0xFFFFF800  }
0x2e: {  	_ =	swait.ge [sflag:s13], $0x800  }
0x2f: {  	[sflag:s13] =	ssyncset.done $0x0  }
0x30: {  	[sflag:s13] =	ssyncadd.s32 $0xFFFFF800  }
0x31: {  	_ =	swait.ge [sflag:s13], $0x800  }
0x32: {  	[sflag:s13] =	ssyncset.done $0x0  }
0x33: {  	s19 =	sadd.s32 $0x2400, s31;
	[sflag:s13] =	ssyncadd.s32 $0xFFFFF800  }
0x34: {  	[hbm4b:s19+s3] =	stream.linear.scatter [tilespmem:s7], [sflag:$0x2], $0x2000, $0x38;
	[tilespmem:$0x2800] =	vst v63  }
0x35: {  	_ =	swait.ge [sflag:s4], $0x2000  }
0x36: {  	[sflag:s4] =	ssyncset.done $0x0  }
0x37: {  	s20 =	simm.s32 $0x400;
	[sflag:s4] =	ssyncadd.s32 $0xFFFFE000  }
0x38: {  	[tilespmem:s7], [sflag:$0x1] =	stream.indirect.gather [hbm4b:s2+s6], $0x10, s20, s6, $0xb8;
	[tilespmem:$0x2800] =	vst v63  }
0x39: {  	s21 =	simm.s32 $0x480  }
0x3a: {  	[tilespmem:s8], [sflag:$0x1] =	stream.indirect.gather [hbm4b:s2+s6], $0x10, s21, s6, $0xb8;
	[tilespmem:$0x2800] =	vst v63  }
0x3b: {  	s22 =	simm.s32 $0x500  }
0x3c: {  	[tilespmem:s10], [sflag:$0x1] =	stream.indirect.gather [hbm4b:s2+s6], $0x10, s22, s6, $0xb8;
	[tilespmem:$0x2800] =	vst v63  }
0x3d: {  	s23 =	simm.s32 $0x580  }
0x3e: {  	[tilespmem:s12], [sflag:$0x1] =	stream.indirect.gather [hbm4b:s2+s6], $0x10, s23, s6, $0xb8;
	[tilespmem:$0x2800] =	vst v63  }
0x3f: {  	_ =	swait.ge [sflag:s13], $0x800  }
0x40: {  	[sflag:s13] =	ssyncset.done $0x0  }
0x41: {  	[sflag:s13] =	ssyncadd.s32 $0xFFFFF800  }
0x42: {  	_ =	swait.ge [sflag:s13], $0x800  }
0x43: {  	[sflag:s13] =	ssyncset.done $0x0  }
0x44: {  	[sflag:s13] =	ssyncadd.s32 $0xFFFFF800  }
0x45: {  	_ =	swait.ge [sflag:s13], $0x800  }
0x46: {  	[sflag:s13] =	ssyncset.done $0x0  }
0x47: {  	[sflag:s13] =	ssyncadd.s32 $0xFFFFF800  }
0x48: {  	_ =	swait.ge [sflag:s13], $0x800  }
0x49: {  	[sflag:s13] =	ssyncset.done $0x0  }
0x4a: {  	s24 =	sadd.s32 $0x2800, s31;
	[sflag:s13] =	ssyncadd.s32 $0xFFFFF800  }
0x4b: {  	[hbm4b:s24+s3] =	stream.linear.scatter [tilespmem:s7], [sflag:$0x2], $0x2000, $0x38;
	[tilespmem:$0x2800] =	vst v63  }
0x4c: {  	_ =	swait.ge [sflag:s4], $0x2000  }
0x4d: {  	[sflag:s4] =	ssyncset.done $0x0  }
0x4e: {  	s25 =	simm.s32 $0x600;
	[sflag:s4] =	ssyncadd.s32 $0xFFFFE000  }
0x4f: {  	[tilespmem:s7], [sflag:$0x1] =	stream.indirect.gather [hbm4b:s2+s6], $0x10, s25, s6, $0xb8;
	[tilespmem:$0x2800] =	vst v63  }
0x50: {  	s26 =	simm.s32 $0x680  }
0x51: {  	[tilespmem:s8], [sflag:$0x1] =	stream.indirect.gather [hbm4b:s2+s6], $0x10, s26, s6, $0xb8;
	[tilespmem:$0x2800] =	vst v63  }
0x52: {  	s28 =	simm.s32 $0x700  }
0x53: {  	[tilespmem:s10], [sflag:$0x1] =	stream.indirect.gather [hbm4b:s2+s6], $0x10, s28, s6, $0xb8;
	[tilespmem:$0x2800] =	vst v63  }
0x54: {  	s29 =	simm.s32 $0x780  }
0x55: {  	[tilespmem:s12], [sflag:$0x1] =	stream.indirect.gather [hbm4b:s2+s6], $0x10, s29, s6, $0xb8;
	[tilespmem:$0x2800] =	vst v63  }
0x56: {  	_ =	swait.ge [sflag:s13], $0x800  }
0x57: {  	[sflag:s13] =	ssyncset.done $0x0  }
0x58: {  	[sflag:s13] =	ssyncadd.s32 $0xFFFFF800  }
0x59: {  	_ =	swait.ge [sflag:s13], $0x800  }
0x5a: {  	[sflag:s13] =	ssyncset.done $0x0  }
0x5b: {  	s30 =	ssub.s32 $0x2, s30;
	[sflag:s13] =	ssyncadd.s32 $0xFFFFF800  }
0x5c: {  	s1 =	sshrl.u32 s30, $0x1;
	_ =	swait.ge [sflag:s13], $0x800  }
0x5d: {  	s1 =	ssub.s32 s30, s1;
	[sflag:s13] =	ssyncset.done $0x0  }
0x5e: {  	s1 =	smax.u32 s1, $0x1;
	[sflag:s13] =	ssyncadd.s32 $0xFFFFF800  }
0x5f: {  	p0 =	sne.s32 s1, $0x1;
	_ =	swait.ge [sflag:s13], $0x800  }
.Ltmp0:
0x60: {  	[sflag:s13] =	ssyncset.done $0x0;
	(pc) =	sbr.rel @!p0 .LBB2_2-.Ltmp0, $4  }
0x61: {  	s30 =	sadd.s32 $0x2C00, s31;
	[sflag:s13] =	ssyncadd.s32 $0xFFFFF800  }
0x62: {  	[hbm4b:s30+s3] =	stream.linear.scatter [tilespmem:s7], [sflag:$0x2], $0x2000, $0x38;
	[tilespmem:$0x2800] =	vst v63  }
0x63: {  	_ =	swait.ge [sflag:s4], $0x2000  }
0x64: {  	s31 =	sadd.s32 $0xFFFFFFFF, s1;
	[sflag:s4] =	ssyncset.done $0x0  }
.LBB2_1:
0x65: {  	p0 =	sne.s32 s31, $0x1;
	s31 =	sadd.s32 $0xFFFFFFFF, s31;
	[sflag:s4] =	ssyncadd.s32 $0xFFFFE000  }
0x66: {  	[tilespmem:s3], [sflag:$0x2] =	stream.linear.gather [hbm4b:s5+s3], $0x800, $0x38;
	[tilespmem:$0x2800] =	vst v63  }
0x67: {  	_ =	swait.ge [sflag:s4], $0x800  }
0x68: {  	[sflag:s4] =	ssyncset.done $0x0  }
0x69: {  	[sflag:s4] =	ssyncadd.s32 $0xFFFFF800  }
0x6a: {  	[tilespmem:s7], [sflag:$0x1] =	stream.indirect.gather [hbm4b:s2+s6], $0x10, s3, s6, $0xb8;
	[tilespmem:$0x2800] =	vst v63  }
0x6b: {  	_ = 	snop  }
0x6c: {  	[tilespmem:s8], [sflag:$0x1] =	stream.indirect.gather [hbm4b:s2+s6], $0x10, s6, s6, $0xb8;
	[tilespmem:$0x2800] =	vst v63  }
0x6d: {  	_ = 	snop  }
0x6e: {  	[tilespmem:s10], [sflag:$0x1] =	stream.indirect.gather [hbm4b:s2+s6], $0x10, s9, s6, $0xb8;
	[tilespmem:$0x2800] =	vst v63  }
0x6f: {  	_ = 	snop  }
0x70: {  	[tilespmem:s12], [sflag:$0x1] =	stream.indirect.gather [hbm4b:s2+s6], $0x10, s11, s6, $0xb8;
	[tilespmem:$0x2800] =	vst v63  }
0x71: {  	_ =	swait.ge [sflag:s13], $0x800  }
0x72: {  	[sflag:s13] =	ssyncset.done $0x0  }
0x73: {  	[sflag:s13] =	ssyncadd.s32 $0xFFFFF800  }
0x74: {  	_ =	swait.ge [sflag:s13], $0x800  }
0x75: {  	[sflag:s13] =	ssyncset.done $0x0  }
0x76: {  	[sflag:s13] =	ssyncadd.s32 $0xFFFFF800  }
0x77: {  	_ =	swait.ge [sflag:s13], $0x800  }
0x78: {  	[sflag:s13] =	ssyncset.done $0x0  }
0x79: {  	[sflag:s13] =	ssyncadd.s32 $0xFFFFF800  }
0x7a: {  	_ =	swait.ge [sflag:s13], $0x800  }
0x7b: {  	[sflag:s13] =	ssyncset.done $0x0  }
0x7c: {  	[sflag:s13] =	ssyncadd.s32 $0xFFFFF800  }
0x7d: {  	[hbm4b:s14+s3] =	stream.linear.scatter [tilespmem:s7], [sflag:$0x2], $0x2000, $0x38;
	[tilespmem:$0x2800] =	vst v63  }
0x7e: {  	_ =	swait.ge [sflag:s4], $0x2000  }
0x7f: {  	[sflag:s4] =	ssyncset.done $0x0  }
0x80: {  	[sflag:s4] =	ssyncadd.s32 $0xFFFFE000  }
0x81: {  	[tilespmem:s7], [sflag:$0x1] =	stream.indirect.gather [hbm4b:s2+s6], $0x10, s15, s6, $0xb8;
	[tilespmem:$0x2800] =	vst v63  }
0x82: {  	_ = 	snop  }
0x83: {  	[tilespmem:s8], [sflag:$0x1] =	stream.indirect.gather [hbm4b:s2+s6], $0x10, s16, s6, $0xb8;
	[tilespmem:$0x2800] =	vst v63  }
0x84: {  	_ = 	snop  }
0x85: {  	[tilespmem:s10], [sflag:$0x1] =	stream.indirect.gather [hbm4b:s2+s6], $0x10, s17, s6, $0xb8;
	[tilespmem:$0x2800] =	vst v63  }
0x86: {  	_ = 	snop  }
0x87: {  	[tilespmem:s12], [sflag:$0x1] =	stream.indirect.gather [hbm4b:s2+s6], $0x10, s18, s6, $0xb8;
	[tilespmem:$0x2800] =	vst v63  }
0x88: {  	_ =	swait.ge [sflag:s13], $0x800  }
0x89: {  	[sflag:s13] =	ssyncset.done $0x0  }
0x8a: {  	[sflag:s13] =	ssyncadd.s32 $0xFFFFF800  }
0x8b: {  	_ =	swait.ge [sflag:s13], $0x800  }
0x8c: {  	[sflag:s13] =	ssyncset.done $0x0  }
0x8d: {  	[sflag:s13] =	ssyncadd.s32 $0xFFFFF800  }
0x8e: {  	_ =	swait.ge [sflag:s13], $0x800  }
0x8f: {  	[sflag:s13] =	ssyncset.done $0x0  }
0x90: {  	[sflag:s13] =	ssyncadd.s32 $0xFFFFF800  }
0x91: {  	_ =	swait.ge [sflag:s13], $0x800  }
0x92: {  	[sflag:s13] =	ssyncset.done $0x0  }
0x93: {  	[sflag:s13] =	ssyncadd.s32 $0xFFFFF800  }
0x94: {  	[hbm4b:s19+s3] =	stream.linear.scatter [tilespmem:s7], [sflag:$0x2], $0x2000, $0x38;
	[tilespmem:$0x2800] =	vst v63  }
0x95: {  	_ =	swait.ge [sflag:s4], $0x2000  }
0x96: {  	[sflag:s4] =	ssyncset.done $0x0  }
0x97: {  	[sflag:s4] =	ssyncadd.s32 $0xFFFFE000  }
0x98: {  	[tilespmem:s7], [sflag:$0x1] =	stream.indirect.gather [hbm4b:s2+s6], $0x10, s20, s6, $0xb8;
	[tilespmem:$0x2800] =	vst v63  }
0x99: {  	_ = 	snop  }
0x9a: {  	[tilespmem:s8], [sflag:$0x1] =	stream.indirect.gather [hbm4b:s2+s6], $0x10, s21, s6, $0xb8;
	[tilespmem:$0x2800] =	vst v63  }
0x9b: {  	_ = 	snop  }
0x9c: {  	[tilespmem:s10], [sflag:$0x1] =	stream.indirect.gather [hbm4b:s2+s6], $0x10, s22, s6, $0xb8;
	[tilespmem:$0x2800] =	vst v63  }
0x9d: {  	_ = 	snop  }
0x9e: {  	[tilespmem:s12], [sflag:$0x1] =	stream.indirect.gather [hbm4b:s2+s6], $0x10, s23, s6, $0xb8;
	[tilespmem:$0x2800] =	vst v63  }
0x9f: {  	_ =	swait.ge [sflag:s13], $0x800  }
0xa0: {  	[sflag:s13] =	ssyncset.done $0x0  }
0xa1: {  	[sflag:s13] =	ssyncadd.s32 $0xFFFFF800  }
0xa2: {  	_ =	swait.ge [sflag:s13], $0x800  }
0xa3: {  	[sflag:s13] =	ssyncset.done $0x0  }
0xa4: {  	[sflag:s13] =	ssyncadd.s32 $0xFFFFF800  }
0xa5: {  	_ =	swait.ge [sflag:s13], $0x800  }
0xa6: {  	[sflag:s13] =	ssyncset.done $0x0  }
0xa7: {  	[sflag:s13] =	ssyncadd.s32 $0xFFFFF800  }
0xa8: {  	_ =	swait.ge [sflag:s13], $0x800  }
0xa9: {  	[sflag:s13] =	ssyncset.done $0x0  }
0xaa: {  	[sflag:s13] =	ssyncadd.s32 $0xFFFFF800  }
0xab: {  	[hbm4b:s24+s3] =	stream.linear.scatter [tilespmem:s7], [sflag:$0x2], $0x2000, $0x38;
	[tilespmem:$0x2800] =	vst v63  }
0xac: {  	_ =	swait.ge [sflag:s4], $0x2000  }
0xad: {  	[sflag:s4] =	ssyncset.done $0x0  }
0xae: {  	[sflag:s4] =	ssyncadd.s32 $0xFFFFE000  }
0xaf: {  	[tilespmem:s7], [sflag:$0x1] =	stream.indirect.gather [hbm4b:s2+s6], $0x10, s25, s6, $0xb8;
	[tilespmem:$0x2800] =	vst v63  }
0xb0: {  	_ = 	snop  }
0xb1: {  	[tilespmem:s8], [sflag:$0x1] =	stream.indirect.gather [hbm4b:s2+s6], $0x10, s26, s6, $0xb8;
	[tilespmem:$0x2800] =	vst v63  }
0xb2: {  	_ = 	snop  }
0xb3: {  	[tilespmem:s10], [sflag:$0x1] =	stream.indirect.gather [hbm4b:s2+s6], $0x10, s28, s6, $0xb8;
	[tilespmem:$0x2800] =	vst v63  }
0xb4: {  	_ = 	snop  }
0xb5: {  	[tilespmem:s12], [sflag:$0x1] =	stream.indirect.gather [hbm4b:s2+s6], $0x10, s29, s6, $0xb8;
	[tilespmem:$0x2800] =	vst v63  }
0xb6: {  	_ =	swait.ge [sflag:s13], $0x800  }
0xb7: {  	[sflag:s13] =	ssyncset.done $0x0  }
0xb8: {  	[sflag:s13] =	ssyncadd.s32 $0xFFFFF800  }
0xb9: {  	_ =	swait.ge [sflag:s13], $0x800  }
0xba: {  	[sflag:s13] =	ssyncset.done $0x0  }
0xbb: {  	[sflag:s13] =	ssyncadd.s32 $0xFFFFF800  }
0xbc: {  	_ =	swait.ge [sflag:s13], $0x800  }
0xbd: {  	[sflag:s13] =	ssyncset.done $0x0  }
0xbe: {  	[sflag:s13] =	ssyncadd.s32 $0xFFFFF800  }
0xbf: {  	_ =	swait.ge [sflag:s13], $0x800  }
.Ltmp1:
0xc0: {  	[sflag:s13] =	ssyncset.done $0x0;
	(pc) =	sbr.rel @p0 .LBB2_1-.Ltmp1, $4  }
0xc1: {  	[sflag:s13] =	ssyncadd.s32 $0xFFFFF800  }
0xc2: {  	[hbm4b:s30+s3] =	stream.linear.scatter [tilespmem:s7], [sflag:$0x2], $0x2000, $0x38;
	[tilespmem:$0x2800] =	vst v63  }
0xc3: {  	_ =	swait.ge [sflag:s4], $0x2000  }
0xc4: {  	[sflag:s4] =	ssyncset.done $0x0  }
.LBB2_2:
0xc5: {  	[sflag:s4] =	ssyncadd.s32 $0xFFFFE000  }
0xc6: {  	_ =	sfence.sel $0x180000  }
0xc7: {  	[bflag:$0x0] =	sbarrier.arrive $0xFFFF  }
0xc8: {  	_ =	strace $0x90000047  }
0xc9: {  	[bflag:$0x2] =	sbarrier.arrive $0xFFFF  }
0xca: {  	p0 =	sne.s32 s0, $0x0;
	s0 =	rddreg [dreg:$0x2]  }
0xcb: {  	s0 =	sadd.s32 @!p0 $0x100000, s0  }
0xcc: {  	[sflag:s0] =	ssyncadd.tile.s32 @!p0 $0x1;
	_ =	shalt  }
.Lfunc_end2:
_tile_overlayer_lowered:
.L_overlay_start_2:
0xcd: {  	(tag) =	ssettag $0x2  }
0xce: {  	s0 =	rddreg [dreg:$0x0];
	s2 =	stileid.u32  }
0xcf: {  	s1 =	rddreg [dreg:$0x1];
	p0 =	sne.s32 s2, $0x0  }
0xd0: {  	s3 =	rddreg [dreg:$0x2];
	[bflag:$0x3] =	sbarrier.arrive $0xFFFF;
	s2 =	simm.s32 @!p0 $0x1C02  }
0xd1: {  	[timem:s3], [sflag:s2] =	dma.local @!p0 [hbm:s0], s1  }
0xd2: {  	s0 =	simm.s32 @!p0 $0x2  }
0xd3: {  	_ =	swait.ge @!p0 [sflag:s0], s1  }
0xd4: {  	s1 =	ssub.s32 @!p0 $0x0, s1;
	[sflag:s0] =	ssyncset.done @!p0 $0x0  }
0xd5: {  	[sflag:s0] =	ssyncadd.s32 @!p0 s1  }
0xd6: {  	[bflag:$0x3] =	sbarrier.arrive $0xFFFF  }
0xd7: {  	_ =	shalt  }

</sc_bundles>
